<compile_context>
chip_gen: v7x
topology: tpu7x:2x2x1
jax: 0.10.2.dev20260603
libtpu: 0.0.44.dev20260713+nightly
codegen_flags: <defaults>
</compile_context>

<pallas_src>
import functools

import jax
import jax.numpy as jnp
from jax import lax
from jax.experimental import pallas as pl
from jax.experimental.pallas import tpu as pltpu
from jax.experimental.pallas import tpu_sc as plsc

_NC = 2
_NS = 16
_NW = _NC * _NS
_LANES = 16
_SPLITS = (192, 320)


def _gather_norm_fn(b_per_w, table_hbm, idx_hbm, mean_hbm, norm_hbm, out_hbm,
                    idx_v, vals_v, mean_v, norm_v, *sems):
    nchunk = len(_SPLITS)
    sem_i = sems[:nchunk]
    sem_g = sems[nchunk:2 * nchunk]
    sem_o = sems[2 * nchunk:3 * nchunk]
    sem_m, sem_n = sems[3 * nchunk:]
    wid = lax.axis_index("s") * _NC + lax.axis_index("c")
    base = wid * b_per_w
    offs = [sum(_SPLITS[:c]) for c in range(nchunk)]

    i_cps = [pltpu.async_copy(idx_hbm.at[pl.ds(base + offs[c], _SPLITS[c])],
                              idx_v.at[pl.ds(offs[c], _SPLITS[c])], sem_i[c])
             for c in range(nchunk)]
    zeros = jnp.zeros((_LANES,), jnp.int32)
    m_cp = pltpu.async_copy(mean_hbm.at[zeros], mean_v, sem_m)
    n_cp = pltpu.async_copy(norm_hbm.at[zeros], norm_v, sem_n)

    g_cps = []
    for c in range(nchunk):
        i_cps[c].wait()
        g_cps.append(
            pltpu.async_copy(table_hbm.at[idx_v.at[pl.ds(offs[c], _SPLITS[c])]],
                             vals_v.at[pl.ds(offs[c], _SPLITS[c])], sem_g[c]))
    m_cp.wait()
    n_cp.wait()
    scale = 1.0 / norm_v[...]
    shift = mean_v[...] * scale

    o_cps = []
    for c in range(nchunk):
        g_cps[c].wait()
        for i in range(offs[c], offs[c] + _SPLITS[c], _LANES):
            vals_v[pl.ds(i, _LANES)] = (
                vals_v[pl.ds(i, _LANES)] * scale - shift)

        o_cps.append(
            pltpu.async_copy(vals_v.at[pl.ds(offs[c], _SPLITS[c])],
                             out_hbm.at[pl.ds(base + offs[c], _SPLITS[c])],
                             sem_o[c]))
    for o_cp in o_cps:
        o_cp.wait()


def kernel(inputs, categ_bias, moving_mean, moving_norm):
    batch = inputs.shape[0]
    idx = inputs.reshape(batch).astype(jnp.int32)
    table = categ_bias.reshape(-1)
    b_per_w = batch // _NW

    mesh = plsc.VectorSubcoreMesh(core_axis_name="c", subcore_axis_name="s")
    run = pl.kernel(
        functools.partial(_gather_norm_fn, b_per_w),
        out_type=jax.ShapeDtypeStruct((batch,), jnp.float32),
        mesh=mesh,
        scratch_types=[
            pltpu.VMEM((b_per_w,), jnp.int32),
            pltpu.VMEM((b_per_w,), jnp.float32),
            pltpu.VMEM((_LANES,), jnp.float32),
            pltpu.VMEM((_LANES,), jnp.float32),
        ] + [pltpu.SemaphoreType.DMA] * (3 * len(_SPLITS) + 2),
    )
    out = run(table, idx, moving_mean.astype(jnp.float32),
              moving_norm.astype(jnp.float32))
    return out.reshape(batch, 1)

# --- scband reference (transcript-rebuilt; emitter-appended) ---
"""Pipeline reference for scband-categ-net-28458453303582 (READ-ONLY COPY).

The authoritative reference and input builder live on the scoring server;
editing this copy changes nothing except your own understanding.
"""

import jax, jax.numpy as jnp
import numpy as np

DEPTH = 100000
BATCH = 16384

def setup_inputs(seed: int = 0) -> dict:
    key = jax.random.key(seed)
    k1, k2 = jax.random.split(key)
    # inputs: categorical ids in [0, depth); original module takes them in column 0 and casts to int32
    inputs = jax.random.randint(k1, (BATCH, 1), 0, DEPTH, dtype=jnp.int32)
    # learned parameters per build(): categ_bias [depth, 1], moving stats [1]
    categ_bias = jax.random.normal(k2, (DEPTH, 1), dtype=jnp.float32) * 0.05
    moving_mean = jnp.zeros((1,), dtype=jnp.float32)
    moving_norm = jnp.ones((1,), dtype=jnp.float32)
    return {"inputs": inputs, "categ_bias": categ_bias, "moving_mean": moving_mean, "moving_norm": moving_norm}

def reference(inputs, categ_bias, moving_mean, moving_norm):
    # tf.one_hot(idx, depth) @ categ_bias  ==  gather rows of categ_bias
    idx = inputs[:, 0].astype(jnp.int32)
    output_original = jnp.take(categ_bias, idx, axis=0)  # [B, 1]
    # inference path (training=False): use moving stats; bn_flag=True
    output = (output_original - moving_mean) / moving_norm
    return output

if __name__ == "__main__":
    import jax
    _d = setup_inputs()
    print(jax.jit(kernel)(*tuple(_d.values())))

</pallas_src>

<mosaic_0001>
#map = affine_map<(d0, d1) -> (0)>
module attributes {stable_mosaic.version = 14 : i64} {
  func.func @_gather_norm_fn(%arg0: i32, %arg1: i32, %arg2: memref<100000xf32, #tpu.memory_space<hbm>>, %arg3: memref<16384xi32, #tpu.memory_space<hbm>>, %arg4: memref<1xf32, #tpu.memory_space<hbm>>, %arg5: memref<1xf32, #tpu.memory_space<hbm>>, %arg6: memref<16384xf32, #tpu.memory_space<hbm>>, %arg7: memref<512xi32, #tpu.memory_space<vmem>>, %arg8: memref<512xf32, #tpu.memory_space<vmem>>, %arg9: memref<16xf32, #tpu.memory_space<vmem>>, %arg10: memref<16xf32, #tpu.memory_space<vmem>>, %arg11: memref<!tpu.dma_semaphore, #tpu.memory_space<semaphore_mem>>, %arg12: memref<!tpu.dma_semaphore, #tpu.memory_space<semaphore_mem>>, %arg13: memref<!tpu.dma_semaphore, #tpu.memory_space<semaphore_mem>>, %arg14: memref<!tpu.dma_semaphore, #tpu.memory_space<semaphore_mem>>, %arg15: memref<!tpu.dma_semaphore, #tpu.memory_space<semaphore_mem>>, %arg16: memref<!tpu.dma_semaphore, #tpu.memory_space<semaphore_mem>>, %arg17: memref<!tpu.dma_semaphore, #tpu.memory_space<semaphore_mem>>, %arg18: memref<!tpu.dma_semaphore, #tpu.memory_space<semaphore_mem>>) attributes {dimension_semantics = [#tpu.dimension_semantics<core_parallel>, #tpu.dimension_semantics<subcore_parallel>], iteration_bounds = array<i64: 2, 16>, scalar_prefetch = 0 : i64, scratch_operands = 12 : i64, tpu.core_type = #tpu.core_type<sc_vector_subcore>, window_params = [{transform_indices = #map}, {transform_indices = #map}, {transform_indices = #map}, {transform_indices = #map}, {transform_indices = #map}]} {
    %mul3A = arith.constant 2 : i32
    %mul3A_0 = arith.muli %arg1, %mul3A : i32
    %add3A = arith.addi %mul3A_0, %arg0 : i32
    %mul3A_1 = arith.constant 512 : i32
    %mul3A_2 = arith.muli %add3A, %mul3A_1 : i32
    %add3A_3 = arith.constant 0 : i32
    %add3A_4 = arith.addi %mul3A_2, %add3A_3 : i32
    %dma_start3A = arith.constant 0 : i32
    %dma_start3A_5 = tpu.memref_slice %arg7[%dma_start3A] : memref<512xi32, #tpu.memory_space<vmem>> -> memref<192xi32, #tpu.memory_space<vmem>>
    %dma_start3A_6 = tpu.memref_slice %arg3[%add3A_4] : memref<16384xi32, #tpu.memory_space<hbm>> -> memref<192xi32, #tpu.memory_space<hbm>>
    %dma_start3A_7 = arith.constant 0 : i32
    %dma_start3A_8 = tpu.memref_slice %arg7[%dma_start3A_7] : memref<512xi32, #tpu.memory_space<vmem>> -> memref<192xi32, #tpu.memory_space<vmem>>
    %dma_start3A_9 = tpu.memref_slice %arg3[%add3A_4] : memref<16384xi32, #tpu.memory_space<hbm>> -> memref<192xi32, #tpu.memory_space<hbm>>
    tpu.enqueue_dma source(%dma_start3A_9 : memref<192xi32, #tpu.memory_space<hbm>>) target(%dma_start3A_8 : memref<192xi32, #tpu.memory_space<vmem>>) target_semaphore(%arg11 : memref<!tpu.dma_semaphore, #tpu.memory_space<semaphore_mem>>)
    %add3A_10 = arith.constant 192 : i32
    %add3A_11 = arith.addi %mul3A_2, %add3A_10 : i32
    %dma_start3A_12 = arith.constant 192 : i32
    %dma_start3A_13 = tpu.memref_slice %arg7[%dma_start3A_12] : memref<512xi32, #tpu.memory_space<vmem>> -> memref<320xi32, #tpu.memory_space<vmem>>
    %dma_start3A_14 = tpu.memref_slice %arg3[%add3A_11] : memref<16384xi32, #tpu.memory_space<hbm>> -> memref<320xi32, #tpu.memory_space<hbm>>
    %dma_start3A_15 = arith.constant 192 : i32
    %dma_start3A_16 = tpu.memref_slice %arg7[%dma_start3A_15] : memref<512xi32, #tpu.memory_space<vmem>> -> memref<320xi32, #tpu.memory_space<vmem>>
    %dma_start3A_17 = tpu.memref_slice %arg3[%add3A_11] : memref<16384xi32, #tpu.memory_space<hbm>> -> memref<320xi32, #tpu.memory_space<hbm>>
    tpu.enqueue_dma source(%dma_start3A_17 : memref<320xi32, #tpu.memory_space<hbm>>) target(%dma_start3A_16 : memref<320xi32, #tpu.memory_space<vmem>>) target_semaphore(%arg12 : memref<!tpu.dma_semaphore, #tpu.memory_space<semaphore_mem>>)
    %broadcast_in_dim3A = arith.constant 0 : i32
    %broadcast_in_dim3A_18 = vector.broadcast %broadcast_in_dim3A : i32 to vector<16xi32>
    %dma_start3A_19 = arith.constant 0 : i32
    %dma_start3A_20 = tpu.memref_slice %arg4[%dma_start3A_19] : memref<1xf32, #tpu.memory_space<hbm>> -> memref<1xf32, #tpu.memory_space<hbm>>
    tpu.enqueue_indirect_dma source(%dma_start3A_20 : memref<1xf32, #tpu.memory_space<hbm>>) target(%arg9 : memref<16xf32, #tpu.memory_space<vmem>>) offsets(%broadcast_in_dim3A_18 : vector<16xi32>) semaphore(%arg17 : memref<!tpu.dma_semaphore, #tpu.memory_space<semaphore_mem>>)
    %dma_start3A_21 = arith.constant 0 : i32
    %dma_start3A_22 = tpu.memref_slice %arg5[%dma_start3A_21] : memref<1xf32, #tpu.memory_space<hbm>> -> memref<1xf32, #tpu.memory_space<hbm>>
    tpu.enqueue_indirect_dma source(%dma_start3A_22 : memref<1xf32, #tpu.memory_space<hbm>>) target(%arg10 : memref<16xf32, #tpu.memory_space<vmem>>) offsets(%broadcast_in_dim3A_18 : vector<16xi32>) semaphore(%arg18 : memref<!tpu.dma_semaphore, #tpu.memory_space<semaphore_mem>>)
    %dma_wait3A = arith.constant 0 : i32
    %dma_wait3A_23 = tpu.memref_slice %arg7[%dma_wait3A] : memref<512xi32, #tpu.memory_space<vmem>> -> memref<192xi32, #tpu.memory_space<vmem>>
    %dma_wait3A_24 = tpu.memref_slice %arg3[%add3A_4] : memref<16384xi32, #tpu.memory_space<hbm>> -> memref<192xi32, #tpu.memory_space<hbm>>
    %dma_wait3A_25 = arith.constant 0 : i32
    %dma_wait3A_26 = tpu.memref_slice %arg7[%dma_wait3A_25] : memref<512xi32, #tpu.memory_space<vmem>> -> memref<192xi32, #tpu.memory_space<vmem>>
    %dma_wait3A_27 = tpu.memref_slice %arg3[%add3A_4] : memref<16384xi32, #tpu.memory_space<hbm>> -> memref<192xi32, #tpu.memory_space<hbm>>
    tpu.wait_dma2 semaphore(%arg11 : memref<!tpu.dma_semaphore, #tpu.memory_space<semaphore_mem>>) src(%dma_wait3A_27 : memref<192xi32, #tpu.memory_space<hbm>>) dst(%dma_wait3A_26 : memref<192xi32, #tpu.memory_space<vmem>>)
    %dma_start3A_28 = arith.constant 0 : i32
    %dma_start3A_29 = tpu.memref_slice %arg8[%dma_start3A_28] : memref<512xf32, #tpu.memory_space<vmem>> -> memref<192xf32, #tpu.memory_space<vmem>>
    %dma_start3A_30 = arith.constant 0 : i32
    %dma_start3A_31 = tpu.memref_slice %arg7[%dma_start3A_30] : memref<512xi32, #tpu.memory_space<vmem>> -> memref<192xi32, #tpu.memory_space<vmem>>
    %dma_start3A_32 = arith.constant 0 : i32
    %dma_start3A_33 = tpu.memref_slice %arg2[%dma_start3A_32] : memref<100000xf32, #tpu.memory_space<hbm>> -> memref<100000xf32, #tpu.memory_space<hbm>>
    tpu.enqueue_indirect_dma source(%dma_start3A_33 : memref<100000xf32, #tpu.memory_space<hbm>>) target(%dma_start3A_29 : memref<192xf32, #tpu.memory_space<vmem>>) offsets(%dma_start3A_31 : memref<192xi32, #tpu.memory_space<vmem>>) semaphore(%arg13 : memref<!tpu.dma_semaphore, #tpu.memory_space<semaphore_mem>>)
    %dma_wait3A_34 = arith.constant 192 : i32
    %dma_wait3A_35 = tpu.memref_slice %arg7[%dma_wait3A_34] : memref<512xi32, #tpu.memory_space<vmem>> -> memref<320xi32, #tpu.memory_space<vmem>>
    %dma_wait3A_36 = tpu.memref_slice %arg3[%add3A_11] : memref<16384xi32, #tpu.memory_space<hbm>> -> memref<320xi32, #tpu.memory_space<hbm>>
    %dma_wait3A_37 = arith.constant 192 : i32
    %dma_wait3A_38 = tpu.memref_slice %arg7[%dma_wait3A_37] : memref<512xi32, #tpu.memory_space<vmem>> -> memref<320xi32, #tpu.memory_space<vmem>>
    %dma_wait3A_39 = tpu.memref_slice %arg3[%add3A_11] : memref<16384xi32, #tpu.memory_space<hbm>> -> memref<320xi32, #tpu.memory_space<hbm>>
    tpu.wait_dma2 semaphore(%arg12 : memref<!tpu.dma_semaphore, #tpu.memory_space<semaphore_mem>>) src(%dma_wait3A_39 : memref<320xi32, #tpu.memory_space<hbm>>) dst(%dma_wait3A_38 : memref<320xi32, #tpu.memory_space<vmem>>)
    %dma_start3A_40 = arith.constant 192 : i32
    %dma_start3A_41 = tpu.memref_slice %arg8[%dma_start3A_40] : memref<512xf32, #tpu.memory_space<vmem>> -> memref<320xf32, #tpu.memory_space<vmem>>
    %dma_start3A_42 = arith.constant 192 : i32
    %dma_start3A_43 = tpu.memref_slice %arg7[%dma_start3A_42] : memref<512xi32, #tpu.memory_space<vmem>> -> memref<320xi32, #tpu.memory_space<vmem>>
    %dma_start3A_44 = arith.constant 0 : i32
    %dma_start3A_45 = tpu.memref_slice %arg2[%dma_start3A_44] : memref<100000xf32, #tpu.memory_space<hbm>> -> memref<100000xf32, #tpu.memory_space<hbm>>
    tpu.enqueue_indirect_dma source(%dma_start3A_45 : memref<100000xf32, #tpu.memory_space<hbm>>) target(%dma_start3A_41 : memref<320xf32, #tpu.memory_space<vmem>>) offsets(%dma_start3A_43 : memref<320xi32, #tpu.memory_space<vmem>>) semaphore(%arg14 : memref<!tpu.dma_semaphore, #tpu.memory_space<semaphore_mem>>)
    %dma_wait3A_46 = arith.constant 0 : i32
    %dma_wait3A_47 = tpu.memref_slice %arg4[%dma_wait3A_46] : memref<1xf32, #tpu.memory_space<hbm>> -> memref<1xf32, #tpu.memory_space<hbm>>
    tpu.wait_indirect_dma semaphore(%arg17 : memref<!tpu.dma_semaphore, #tpu.memory_space<semaphore_mem>>) src(%dma_wait3A_47 : memref<1xf32, #tpu.memory_space<hbm>>) dst(%arg9 : memref<16xf32, #tpu.memory_space<vmem>>)
    %dma_wait3A_48 = arith.constant 0 : i32
    %dma_wait3A_49 = tpu.memref_slice %arg5[%dma_wait3A_48] : memref<1xf32, #tpu.memory_space<hbm>> -> memref<1xf32, #tpu.memory_space<hbm>>
    tpu.wait_indirect_dma semaphore(%arg18 : memref<!tpu.dma_semaphore, #tpu.memory_space<semaphore_mem>>) src(%dma_wait3A_49 : memref<1xf32, #tpu.memory_space<hbm>>) dst(%arg10 : memref<16xf32, #tpu.memory_space<vmem>>)
    %get3A = arith.constant 0 : index
    %get3A_50 = tpu.vector_load %arg10[%get3A] {strides = array<i32>} : memref<16xf32, #tpu.memory_space<vmem>>, vector<16xf32>,
    %get3A_51 = vector.shape_cast %get3A_50 : vector<16xf32> to vector<16xf32>
    %div3A = arith.constant 1.000000e+00 : f32
    %div3A_52 = vector.broadcast %div3A : f32 to vector<16xf32>
    %div3A_53 = arith.divf %div3A_52, %get3A_51 : vector<16xf32>
    %get3A_54 = arith.constant 0 : index
    %get3A_55 = tpu.vector_load %arg9[%get3A_54] {strides = array<i32>} : memref<16xf32, #tpu.memory_space<vmem>>, vector<16xf32>,
    %get3A_56 = vector.shape_cast %get3A_55 : vector<16xf32> to vector<16xf32>
    %mul3A_57 = arith.mulf %get3A_56, %div3A_53 : vector<16xf32>
    %dma_wait3A_58 = arith.constant 0 : i32
    %dma_wait3A_59 = tpu.memref_slice %arg8[%dma_wait3A_58] : memref<512xf32, #tpu.memory_space<vmem>> -> memref<192xf32, #tpu.memory_space<vmem>>
    %dma_wait3A_60 = arith.constant 0 : i32
    %dma_wait3A_61 = tpu.memref_slice %arg7[%dma_wait3A_60] : memref<512xi32, #tpu.memory_space<vmem>> -> memref<192xi32, #tpu.memory_space<vmem>>
    %dma_wait3A_62 = arith.constant 0 : i32
    %dma_wait3A_63 = tpu.memref_slice %arg2[%dma_wait3A_62] : memref<100000xf32, #tpu.memory_space<hbm>> -> memref<100000xf32, #tpu.memory_space<hbm>>
    tpu.wait_indirect_dma semaphore(%arg13 : memref<!tpu.dma_semaphore, #tpu.memory_space<semaphore_mem>>) src(%dma_wait3A_63 : memref<100000xf32, #tpu.memory_space<hbm>>) dst(%dma_wait3A_59 : memref<192xf32, #tpu.memory_space<vmem>>)
    %get3A_64 = arith.constant 0 : index
    %get3A_65 = tpu.vector_load %arg8[%get3A_64] {strides = array<i32>} : memref<512xf32, #tpu.memory_space<vmem>>, vector<16xf32>,
    %get3A_66 = vector.shape_cast %get3A_65 : vector<16xf32> to vector<16xf32>
    %mul3A_67 = arith.mulf %get3A_66, %div3A_53 : vector<16xf32>
    %sub3A = arith.subf %mul3A_67, %mul3A_57 : vector<16xf32>
    %swap3A = arith.constant 0 : index
    %swap3A_68 = tpu.vector_load %arg8[%swap3A] {strides = array<i32>} : memref<512xf32, #tpu.memory_space<vmem>>, vector<16xf32>,
    %swap3A_69 = vector.shape_cast %swap3A_68 : vector<16xf32> to vector<16xf32>
    %swap3A_70 = vector.shape_cast %sub3A : vector<16xf32> to vector<16xf32>
    tpu.vector_store %arg8[%swap3A], %swap3A_70 {strides = array<i32>} : memref<512xf32, #tpu.memory_space<vmem>>, vector<16xf32>,
    %get3A_71 = arith.constant 16 : index
    %get3A_72 = tpu.vector_load %arg8[%get3A_71] {strides = array<i32>} : memref<512xf32, #tpu.memory_space<vmem>>, vector<16xf32>,
    %get3A_73 = vector.shape_cast %get3A_72 : vector<16xf32> to vector<16xf32>
    %mul3A_74 = arith.mulf %get3A_73, %div3A_53 : vector<16xf32>
    %sub3A_75 = arith.subf %mul3A_74, %mul3A_57 : vector<16xf32>
    %swap3A_76 = arith.constant 16 : index
    %swap3A_77 = tpu.vector_load %arg8[%swap3A_76] {strides = array<i32>} : memref<512xf32, #tpu.memory_space<vmem>>, vector<16xf32>,
    %swap3A_78 = vector.shape_cast %swap3A_77 : vector<16xf32> to vector<16xf32>
    %swap3A_79 = vector.shape_cast %sub3A_75 : vector<16xf32> to vector<16xf32>
    tpu.vector_store %arg8[%swap3A_76], %swap3A_79 {strides = array<i32>} : memref<512xf32, #tpu.memory_space<vmem>>, vector<16xf32>,
    %get3A_80 = arith.constant 32 : index
    %get3A_81 = tpu.vector_load %arg8[%get3A_80] {strides = array<i32>} : memref<512xf32, #tpu.memory_space<vmem>>, vector<16xf32>,
    %get3A_82 = vector.shape_cast %get3A_81 : vector<16xf32> to vector<16xf32>
    %mul3A_83 = arith.mulf %get3A_82, %div3A_53 : vector<16xf32>
    %sub3A_84 = arith.subf %mul3A_83, %mul3A_57 : vector<16xf32>
    %swap3A_85 = arith.constant 32 : index
    %swap3A_86 = tpu.vector_load %arg8[%swap3A_85] {strides = array<i32>} : memref<512xf32, #tpu.memory_space<vmem>>, vector<16xf32>,
    %swap3A_87 = vector.shape_cast %swap3A_86 : vector<16xf32> to vector<16xf32>
    %swap3A_88 = vector.shape_cast %sub3A_84 : vector<16xf32> to vector<16xf32>
    tpu.vector_store %arg8[%swap3A_85], %swap3A_88 {strides = array<i32>} : memref<512xf32, #tpu.memory_space<vmem>>, vector<16xf32>,
    %get3A_89 = arith.constant 48 : index
    %get3A_90 = tpu.vector_load %arg8[%get3A_89] {strides = array<i32>} : memref<512xf32, #tpu.memory_space<vmem>>, vector<16xf32>,
    %get3A_91 = vector.shape_cast %get3A_90 : vector<16xf32> to vector<16xf32>
    %mul3A_92 = arith.mulf %get3A_91, %div3A_53 : vector<16xf32>
    %sub3A_93 = arith.subf %mul3A_92, %mul3A_57 : vector<16xf32>
    %swap3A_94 = arith.constant 48 : index
    %swap3A_95 = tpu.vector_load %arg8[%swap3A_94] {strides = array<i32>} : memref<512xf32, #tpu.memory_space<vmem>>, vector<16xf32>,
    %swap3A_96 = vector.shape_cast %swap3A_95 : vector<16xf32> to vector<16xf32>
    %swap3A_97 = vector.shape_cast %sub3A_93 : vector<16xf32> to vector<16xf32>
    tpu.vector_store %arg8[%swap3A_94], %swap3A_97 {strides = array<i32>} : memref<512xf32, #tpu.memory_space<vmem>>, vector<16xf32>,
    %get3A_98 = arith.constant 64 : index
    %get3A_99 = tpu.vector_load %arg8[%get3A_98] {strides = array<i32>} : memref<512xf32, #tpu.memory_space<vmem>>, vector<16xf32>,
    %get3A_100 = vector.shape_cast %get3A_99 : vector<16xf32> to vector<16xf32>
    %mul3A_101 = arith.mulf %get3A_100, %div3A_53 : vector<16xf32>
    %sub3A_102 = arith.subf %mul3A_101, %mul3A_57 : vector<16xf32>
    %swap3A_103 = arith.constant 64 : index
    %swap3A_104 = tpu.vector_load %arg8[%swap3A_103] {strides = array<i32>} : memref<512xf32, #tpu.memory_space<vmem>>, vector<16xf32>,
    %swap3A_105 = vector.shape_cast %swap3A_104 : vector<16xf32> to vector<16xf32>
    %swap3A_106 = vector.shape_cast %sub3A_102 : vector<16xf32> to vector<16xf32>
    tpu.vector_store %arg8[%swap3A_103], %swap3A_106 {strides = array<i32>} : memref<512xf32, #tpu.memory_space<vmem>>, vector<16xf32>,
    %get3A_107 = arith.constant 80 : index
    %get3A_108 = tpu.vector_load %arg8[%get3A_107] {strides = array<i32>} : memref<512xf32, #tpu.memory_space<vmem>>, vector<16xf32>,
    %get3A_109 = vector.shape_cast %get3A_108 : vector<16xf32> to vector<16xf32>
    %mul3A_110 = arith.mulf %get3A_109, %div3A_53 : vector<16xf32>
    %sub3A_111 = arith.subf %mul3A_110, %mul3A_57 : vector<16xf32>
    %swap3A_112 = arith.constant 80 : index
    %swap3A_113 = tpu.vector_load %arg8[%swap3A_112] {strides = array<i32>} : memref<512xf32, #tpu.memory_space<vmem>>, vector<16xf32>,
    %swap3A_114 = vector.shape_cast %swap3A_113 : vector<16xf32> to vector<16xf32>
    %swap3A_115 = vector.shape_cast %sub3A_111 : vector<16xf32> to vector<16xf32>
    tpu.vector_store %arg8[%swap3A_112], %swap3A_115 {strides = array<i32>} : memref<512xf32, #tpu.memory_space<vmem>>, vector<16xf32>,
    %get3A_116 = arith.constant 96 : index
    %get3A_117 = tpu.vector_load %arg8[%get3A_116] {strides = array<i32>} : memref<512xf32, #tpu.memory_space<vmem>>, vector<16xf32>,
    %get3A_118 = vector.shape_cast %get3A_117 : vector<16xf32> to vector<16xf32>
    %mul3A_119 = arith.mulf %get3A_118, %div3A_53 : vector<16xf32>
    %sub3A_120 = arith.subf %mul3A_119, %mul3A_57 : vector<16xf32>
    %swap3A_121 = arith.constant 96 : index
    %swap3A_122 = tpu.vector_load %arg8[%swap3A_121] {strides = array<i32>} : memref<512xf32, #tpu.memory_space<vmem>>, vector<16xf32>,
    %swap3A_123 = vector.shape_cast %swap3A_122 : vector<16xf32> to vector<16xf32>
    %swap3A_124 = vector.shape_cast %sub3A_120 : vector<16xf32> to vector<16xf32>
    tpu.vector_store %arg8[%swap3A_121], %swap3A_124 {strides = array<i32>} : memref<512xf32, #tpu.memory_space<vmem>>, vector<16xf32>,
    %get3A_125 = arith.constant 112 : index
    %get3A_126 = tpu.vector_load %arg8[%get3A_125] {strides = array<i32>} : memref<512xf32, #tpu.memory_space<vmem>>, vector<16xf32>,
    %get3A_127 = vector.shape_cast %get3A_126 : vector<16xf32> to vector<16xf32>
    %mul3A_128 = arith.mulf %get3A_127, %div3A_53 : vector<16xf32>
    %sub3A_129 = arith.subf %mul3A_128, %mul3A_57 : vector<16xf32>
    %swap3A_130 = arith.constant 112 : index
    %swap3A_131 = tpu.vector_load %arg8[%swap3A_130] {strides = array<i32>} : memref<512xf32, #tpu.memory_space<vmem>>, vector<16xf32>,
    %swap3A_132 = vector.shape_cast %swap3A_131 : vector<16xf32> to vector<16xf32>
    %swap3A_133 = vector.shape_cast %sub3A_129 : vector<16xf32> to vector<16xf32>
    tpu.vector_store %arg8[%swap3A_130], %swap3A_133 {strides = array<i32>} : memref<512xf32, #tpu.memory_space<vmem>>, vector<16xf32>,
    %get3A_134 = arith.constant 128 : index
    %get3A_135 = tpu.vector_load %arg8[%get3A_134] {strides = array<i32>} : memref<512xf32, #tpu.memory_space<vmem>>, vector<16xf32>,
    %get3A_136 = vector.shape_cast %get3A_135 : vector<16xf32> to vector<16xf32>
    %mul3A_137 = arith.mulf %get3A_136, %div3A_53 : vector<16xf32>
    %sub3A_138 = arith.subf %mul3A_137, %mul3A_57 : vector<16xf32>
    %swap3A_139 = arith.constant 128 : index
    %swap3A_140 = tpu.vector_load %arg8[%swap3A_139] {strides = array<i32>} : memref<512xf32, #tpu.memory_space<vmem>>, vector<16xf32>,
    %swap3A_141 = vector.shape_cast %swap3A_140 : vector<16xf32> to vector<16xf32>
    %swap3A_142 = vector.shape_cast %sub3A_138 : vector<16xf32> to vector<16xf32>
    tpu.vector_store %arg8[%swap3A_139], %swap3A_142 {strides = array<i32>} : memref<512xf32, #tpu.memory_space<vmem>>, vector<16xf32>,
    %get3A_143 = arith.constant 144 : index
    %get3A_144 = tpu.vector_load %arg8[%get3A_143] {strides = array<i32>} : memref<512xf32, #tpu.memory_space<vmem>>, vector<16xf32>,
    %get3A_145 = vector.shape_cast %get3A_144 : vector<16xf32> to vector<16xf32>
    %mul3A_146 = arith.mulf %get3A_145, %div3A_53 : vector<16xf32>
    %sub3A_147 = arith.subf %mul3A_146, %mul3A_57 : vector<16xf32>
    %swap3A_148 = arith.constant 144 : index
    %swap3A_149 = tpu.vector_load %arg8[%swap3A_148] {strides = array<i32>} : memref<512xf32, #tpu.memory_space<vmem>>, vector<16xf32>,
    %swap3A_150 = vector.shape_cast %swap3A_149 : vector<16xf32> to vector<16xf32>
    %swap3A_151 = vector.shape_cast %sub3A_147 : vector<16xf32> to vector<16xf32>
    tpu.vector_store %arg8[%swap3A_148], %swap3A_151 {strides = array<i32>} : memref<512xf32, #tpu.memory_space<vmem>>, vector<16xf32>,
    %get3A_152 = arith.constant 160 : index
    %get3A_153 = tpu.vector_load %arg8[%get3A_152] {strides = array<i32>} : memref<512xf32, #tpu.memory_space<vmem>>, vector<16xf32>,
    %get3A_154 = vector.shape_cast %get3A_153 : vector<16xf32> to vector<16xf32>
    %mul3A_155 = arith.mulf %get3A_154, %div3A_53 : vector<16xf32>
    %sub3A_156 = arith.subf %mul3A_155, %mul3A_57 : vector<16xf32>
    %swap3A_157 = arith.constant 160 : index
    %swap3A_158 = tpu.vector_load %arg8[%swap3A_157] {strides = array<i32>} : memref<512xf32, #tpu.memory_space<vmem>>, vector<16xf32>,
    %swap3A_159 = vector.shape_cast %swap3A_158 : vector<16xf32> to vector<16xf32>
    %swap3A_160 = vector.shape_cast %sub3A_156 : vector<16xf32> to vector<16xf32>
    tpu.vector_store %arg8[%swap3A_157], %swap3A_160 {strides = array<i32>} : memref<512xf32, #tpu.memory_space<vmem>>, vector<16xf32>,
    %get3A_161 = arith.constant 176 : index
    %get3A_162 = tpu.vector_load %arg8[%get3A_161] {strides = array<i32>} : memref<512xf32, #tpu.memory_space<vmem>>, vector<16xf32>,
    %get3A_163 = vector.shape_cast %get3A_162 : vector<16xf32> to vector<16xf32>
    %mul3A_164 = arith.mulf %get3A_163, %div3A_53 : vector<16xf32>
    %sub3A_165 = arith.subf %mul3A_164, %mul3A_57 : vector<16xf32>
    %swap3A_166 = arith.constant 176 : index
    %swap3A_167 = tpu.vector_load %arg8[%swap3A_166] {strides = array<i32>} : memref<512xf32, #tpu.memory_space<vmem>>, vector<16xf32>,
    %swap3A_168 = vector.shape_cast %swap3A_167 : vector<16xf32> to vector<16xf32>
    %swap3A_169 = vector.shape_cast %sub3A_165 : vector<16xf32> to vector<16xf32>
    tpu.vector_store %arg8[%swap3A_166], %swap3A_169 {strides = array<i32>} : memref<512xf32, #tpu.memory_space<vmem>>, vector<16xf32>,
    %add3A_170 = arith.constant 0 : i32
    %add3A_171 = arith.addi %mul3A_2, %add3A_170 : i32
    %dma_start3A_172 = arith.constant 0 : i32
    %dma_start3A_173 = tpu.memref_slice %arg8[%dma_start3A_172] : memref<512xf32, #tpu.memory_space<vmem>> -> memref<192xf32, #tpu.memory_space<vmem>>
    %dma_start3A_174 = tpu.memref_slice %arg6[%add3A_171] : memref<16384xf32, #tpu.memory_space<hbm>> -> memref<192xf32, #tpu.memory_space<hbm>>
    %dma_start3A_175 = tpu.memref_slice %arg6[%add3A_171] : memref<16384xf32, #tpu.memory_space<hbm>> -> memref<192xf32, #tpu.memory_space<hbm>>
    %dma_start3A_176 = arith.constant 0 : i32
    %dma_start3A_177 = tpu.memref_slice %arg8[%dma_start3A_176] : memref<512xf32, #tpu.memory_space<vmem>> -> memref<192xf32, #tpu.memory_space<vmem>>
    tpu.enqueue_dma source(%dma_start3A_177 : memref<192xf32, #tpu.memory_space<vmem>>) target(%dma_start3A_175 : memref<192xf32, #tpu.memory_space<hbm>>) target_semaphore(%arg15 : memref<!tpu.dma_semaphore, #tpu.memory_space<semaphore_mem>>)
    %dma_wait3A_178 = arith.constant 192 : i32
    %dma_wait3A_179 = tpu.memref_slice %arg8[%dma_wait3A_178] : memref<512xf32, #tpu.memory_space<vmem>> -> memref<320xf32, #tpu.memory_space<vmem>>
    %dma_wait3A_180 = arith.constant 192 : i32
    %dma_wait3A_181 = tpu.memref_slice %arg7[%dma_wait3A_180] : memref<512xi32, #tpu.memory_space<vmem>> -> memref<320xi32, #tpu.memory_space<vmem>>
    %dma_wait3A_182 = arith.constant 0 : i32
    %dma_wait3A_183 = tpu.memref_slice %arg2[%dma_wait3A_182] : memref<100000xf32, #tpu.memory_space<hbm>> -> memref<100000xf32, #tpu.memory_space<hbm>>
    tpu.wait_indirect_dma semaphore(%arg14 : memref<!tpu.dma_semaphore, #tpu.memory_space<semaphore_mem>>) src(%dma_wait3A_183 : memref<100000xf32, #tpu.memory_space<hbm>>) dst(%dma_wait3A_179 : memref<320xf32, #tpu.memory_space<vmem>>)
    %get3A_184 = arith.constant 192 : index
    %get3A_185 = tpu.vector_load %arg8[%get3A_184] {strides = array<i32>} : memref<512xf32, #tpu.memory_space<vmem>>, vector<16xf32>,
    %get3A_186 = vector.shape_cast %get3A_185 : vector<16xf32> to vector<16xf32>
    %mul3A_187 = arith.mulf %get3A_186, %div3A_53 : vector<16xf32>
    %sub3A_188 = arith.subf %mul3A_187, %mul3A_57 : vector<16xf32>
    %swap3A_189 = arith.constant 192 : index
    %swap3A_190 = tpu.vector_load %arg8[%swap3A_189] {strides = array<i32>} : memref<512xf32, #tpu.memory_space<vmem>>, vector<16xf32>,
    %swap3A_191 = vector.shape_cast %swap3A_190 : vector<16xf32> to vector<16xf32>
    %swap3A_192 = vector.shape_cast %sub3A_188 : vector<16xf32> to vector<16xf32>
    tpu.vector_store %arg8[%swap3A_189], %swap3A_192 {strides = array<i32>} : memref<512xf32, #tpu.memory_space<vmem>>, vector<16xf32>,
    %get3A_193 = arith.constant 208 : index
    %get3A_194 = tpu.vector_load %arg8[%get3A_193] {strides = array<i32>} : memref<512xf32, #tpu.memory_space<vmem>>, vector<16xf32>,
    %get3A_195 = vector.shape_cast %get3A_194 : vector<16xf32> to vector<16xf32>
    %mul3A_196 = arith.mulf %get3A_195, %div3A_53 : vector<16xf32>
    %sub3A_197 = arith.subf %mul3A_196, %mul3A_57 : vector<16xf32>
    %swap3A_198 = arith.constant 208 : index
    %swap3A_199 = tpu.vector_load %arg8[%swap3A_198] {strides = array<i32>} : memref<512xf32, #tpu.memory_space<vmem>>, vector<16xf32>,
    %swap3A_200 = vector.shape_cast %swap3A_199 : vector<16xf32> to vector<16xf32>
    %swap3A_201 = vector.shape_cast %sub3A_197 : vector<16xf32> to vector<16xf32>
    tpu.vector_store %arg8[%swap3A_198], %swap3A_201 {strides = array<i32>} : memref<512xf32, #tpu.memory_space<vmem>>, vector<16xf32>,
    %get3A_202 = arith.constant 224 : index
    %get3A_203 = tpu.vector_load %arg8[%get3A_202] {strides = array<i32>} : memref<512xf32, #tpu.memory_space<vmem>>, vector<16xf32>,
    %get3A_204 = vector.shape_cast %get3A_203 : vector<16xf32> to vector<16xf32>
    %mul3A_205 = arith.mulf %get3A_204, %div3A_53 : vector<16xf32>
    %sub3A_206 = arith.subf %mul3A_205, %mul3A_57 : vector<16xf32>
    %swap3A_207 = arith.constant 224 : index
    %swap3A_208 = tpu.vector_load %arg8[%swap3A_207] {strides = array<i32>} : memref<512xf32, #tpu.memory_space<vmem>>, vector<16xf32>,
    %swap3A_209 = vector.shape_cast %swap3A_208 : vector<16xf32> to vector<16xf32>
    %swap3A_210 = vector.shape_cast %sub3A_206 : vector<16xf32> to vector<16xf32>
    tpu.vector_store %arg8[%swap3A_207], %swap3A_210 {strides = array<i32>} : memref<512xf32, #tpu.memory_space<vmem>>, vector<16xf32>,
    %get3A_211 = arith.constant 240 : index
    %get3A_212 = tpu.vector_load %arg8[%get3A_211] {strides = array<i32>} : memref<512xf32, #tpu.memory_space<vmem>>, vector<16xf32>,
    %get3A_213 = vector.shape_cast %get3A_212 : vector<16xf32> to vector<16xf32>
    %mul3A_214 = arith.mulf %get3A_213, %div3A_53 : vector<16xf32>
    %sub3A_215 = arith.subf %mul3A_214, %mul3A_57 : vector<16xf32>
    %swap3A_216 = arith.constant 240 : index
    %swap3A_217 = tpu.vector_load %arg8[%swap3A_216] {strides = array<i32>} : memref<512xf32, #tpu.memory_space<vmem>>, vector<16xf32>,
    %swap3A_218 = vector.shape_cast %swap3A_217 : vector<16xf32> to vector<16xf32>
    %swap3A_219 = vector.shape_cast %sub3A_215 : vector<16xf32> to vector<16xf32>
    tpu.vector_store %arg8[%swap3A_216], %swap3A_219 {strides = array<i32>} : memref<512xf32, #tpu.memory_space<vmem>>, vector<16xf32>,
    %get3A_220 = arith.constant 256 : index
    %get3A_221 = tpu.vector_load %arg8[%get3A_220] {strides = array<i32>} : memref<512xf32, #tpu.memory_space<vmem>>, vector<16xf32>,
    %get3A_222 = vector.shape_cast %get3A_221 : vector<16xf32> to vector<16xf32>
    %mul3A_223 = arith.mulf %get3A_222, %div3A_53 : vector<16xf32>
    %sub3A_224 = arith.subf %mul3A_223, %mul3A_57 : vector<16xf32>
    %swap3A_225 = arith.constant 256 : index
    %swap3A_226 = tpu.vector_load %arg8[%swap3A_225] {strides = array<i32>} : memref<512xf32, #tpu.memory_space<vmem>>, vector<16xf32>,
    %swap3A_227 = vector.shape_cast %swap3A_226 : vector<16xf32> to vector<16xf32>
    %swap3A_228 = vector.shape_cast %sub3A_224 : vector<16xf32> to vector<16xf32>
    tpu.vector_store %arg8[%swap3A_225], %swap3A_228 {strides = array<i32>} : memref<512xf32, #tpu.memory_space<vmem>>, vector<16xf32>,
    %get3A_229 = arith.constant 272 : index
    %get3A_230 = tpu.vector_load %arg8[%get3A_229] {strides = array<i32>} : memref<512xf32, #tpu.memory_space<vmem>>, vector<16xf32>,
    %get3A_231 = vector.shape_cast %get3A_230 : vector<16xf32> to vector<16xf32>
    %mul3A_232 = arith.mulf %get3A_231, %div3A_53 : vector<16xf32>
    %sub3A_233 = arith.subf %mul3A_232, %mul3A_57 : vector<16xf32>
    %swap3A_234 = arith.constant 272 : index
    %swap3A_235 = tpu.vector_load %arg8[%swap3A_234] {strides = array<i32>} : memref<512xf32, #tpu.memory_space<vmem>>, vector<16xf32>,
    %swap3A_236 = vector.shape_cast %swap3A_235 : vector<16xf32> to vector<16xf32>
    %swap3A_237 = vector.shape_cast %sub3A_233 : vector<16xf32> to vector<16xf32>
    tpu.vector_store %arg8[%swap3A_234], %swap3A_237 {strides = array<i32>} : memref<512xf32, #tpu.memory_space<vmem>>, vector<16xf32>,
    %get3A_238 = arith.constant 288 : index
    %get3A_239 = tpu.vector_load %arg8[%get3A_238] {strides = array<i32>} : memref<512xf32, #tpu.memory_space<vmem>>, vector<16xf32>,
    %get3A_240 = vector.shape_cast %get3A_239 : vector<16xf32> to vector<16xf32>
    %mul3A_241 = arith.mulf %get3A_240, %div3A_53 : vector<16xf32>
    %sub3A_242 = arith.subf %mul3A_241, %mul3A_57 : vector<16xf32>
    %swap3A_243 = arith.constant 288 : index
    %swap3A_244 = tpu.vector_load %arg8[%swap3A_243] {strides = array<i32>} : memref<512xf32, #tpu.memory_space<vmem>>, vector<16xf32>,
    %swap3A_245 = vector.shape_cast %swap3A_244 : vector<16xf32> to vector<16xf32>
    %swap3A_246 = vector.shape_cast %sub3A_242 : vector<16xf32> to vector<16xf32>
    tpu.vector_store %arg8[%swap3A_243], %swap3A_246 {strides = array<i32>} : memref<512xf32, #tpu.memory_space<vmem>>, vector<16xf32>,
    %get3A_247 = arith.constant 304 : index
    %get3A_248 = tpu.vector_load %arg8[%get3A_247] {strides = array<i32>} : memref<512xf32, #tpu.memory_space<vmem>>, vector<16xf32>,
    %get3A_249 = vector.shape_cast %get3A_248 : vector<16xf32> to vector<16xf32>
    %mul3A_250 = arith.mulf %get3A_249, %div3A_53 : vector<16xf32>
    %sub3A_251 = arith.subf %mul3A_250, %mul3A_57 : vector<16xf32>
    %swap3A_252 = arith.constant 304 : index
    %swap3A_253 = tpu.vector_load %arg8[%swap3A_252] {strides = array<i32>} : memref<512xf32, #tpu.memory_space<vmem>>, vector<16xf32>,
    %swap3A_254 = vector.shape_cast %swap3A_253 : vector<16xf32> to vector<16xf32>
    %swap3A_255 = vector.shape_cast %sub3A_251 : vector<16xf32> to vector<16xf32>
    tpu.vector_store %arg8[%swap3A_252], %swap3A_255 {strides = array<i32>} : memref<512xf32, #tpu.memory_space<vmem>>, vector<16xf32>,
    %get3A_256 = arith.constant 320 : index
    %get3A_257 = tpu.vector_load %arg8[%get3A_256] {strides = array<i32>} : memref<512xf32, #tpu.memory_space<vmem>>, vector<16xf32>,
    %get3A_258 = vector.shape_cast %get3A_257 : vector<16xf32> to vector<16xf32>
    %mul3A_259 = arith.mulf %get3A_258, %div3A_53 : vector<16xf32>
    %sub3A_260 = arith.subf %mul3A_259, %mul3A_57 : vector<16xf32>
    %swap3A_261 = arith.constant 320 : index
    %swap3A_262 = tpu.vector_load %arg8[%swap3A_261] {strides = array<i32>} : memref<512xf32, #tpu.memory_space<vmem>>, vector<16xf32>,
    %swap3A_263 = vector.shape_cast %swap3A_262 : vector<16xf32> to vector<16xf32>
    %swap3A_264 = vector.shape_cast %sub3A_260 : vector<16xf32> to vector<16xf32>
    tpu.vector_store %arg8[%swap3A_261], %swap3A_264 {strides = array<i32>} : memref<512xf32, #tpu.memory_space<vmem>>, vector<16xf32>,
    %get3A_265 = arith.constant 336 : index
    %get3A_266 = tpu.vector_load %arg8[%get3A_265] {strides = array<i32>} : memref<512xf32, #tpu.memory_space<vmem>>, vector<16xf32>,
    %get3A_267 = vector.shape_cast %get3A_266 : vector<16xf32> to vector<16xf32>
    %mul3A_268 = arith.mulf %get3A_267, %div3A_53 : vector<16xf32>
    %sub3A_269 = arith.subf %mul3A_268, %mul3A_57 : vector<16xf32>
    %swap3A_270 = arith.constant 336 : index
    %swap3A_271 = tpu.vector_load %arg8[%swap3A_270] {strides = array<i32>} : memref<512xf32, #tpu.memory_space<vmem>>, vector<16xf32>,
    %swap3A_272 = vector.shape_cast %swap3A_271 : vector<16xf32> to vector<16xf32>
    %swap3A_273 = vector.shape_cast %sub3A_269 : vector<16xf32> to vector<16xf32>
    tpu.vector_store %arg8[%swap3A_270], %swap3A_273 {strides = array<i32>} : memref<512xf32, #tpu.memory_space<vmem>>, vector<16xf32>,
    %get3A_274 = arith.constant 352 : index
    %get3A_275 = tpu.vector_load %arg8[%get3A_274] {strides = array<i32>} : memref<512xf32, #tpu.memory_space<vmem>>, vector<16xf32>,
    %get3A_276 = vector.shape_cast %get3A_275 : vector<16xf32> to vector<16xf32>
    %mul3A_277 = arith.mulf %get3A_276, %div3A_53 : vector<16xf32>
    %sub3A_278 = arith.subf %mul3A_277, %mul3A_57 : vector<16xf32>
    %swap3A_279 = arith.constant 352 : index
    %swap3A_280 = tpu.vector_load %arg8[%swap3A_279] {strides = array<i32>} : memref<512xf32, #tpu.memory_space<vmem>>, vector<16xf32>,
    %swap3A_281 = vector.shape_cast %swap3A_280 : vector<16xf32> to vector<16xf32>
    %swap3A_282 = vector.shape_cast %sub3A_278 : vector<16xf32> to vector<16xf32>
    tpu.vector_store %arg8[%swap3A_279], %swap3A_282 {strides = array<i32>} : memref<512xf32, #tpu.memory_space<vmem>>, vector<16xf32>,
    %get3A_283 = arith.constant 368 : index
    %get3A_284 = tpu.vector_load %arg8[%get3A_283] {strides = array<i32>} : memref<512xf32, #tpu.memory_space<vmem>>, vector<16xf32>,
    %get3A_285 = vector.shape_cast %get3A_284 : vector<16xf32> to vector<16xf32>
    %mul3A_286 = arith.mulf %get3A_285, %div3A_53 : vector<16xf32>
    %sub3A_287 = arith.subf %mul3A_286, %mul3A_57 : vector<16xf32>
    %swap3A_288 = arith.constant 368 : index
    %swap3A_289 = tpu.vector_load %arg8[%swap3A_288] {strides = array<i32>} : memref<512xf32, #tpu.memory_space<vmem>>, vector<16xf32>,
    %swap3A_290 = vector.shape_cast %swap3A_289 : vector<16xf32> to vector<16xf32>
    %swap3A_291 = vector.shape_cast %sub3A_287 : vector<16xf32> to vector<16xf32>
    tpu.vector_store %arg8[%swap3A_288], %swap3A_291 {strides = array<i32>} : memref<512xf32, #tpu.memory_space<vmem>>, vector<16xf32>,
    %get3A_292 = arith.constant 384 : index
    %get3A_293 = tpu.vector_load %arg8[%get3A_292] {strides = array<i32>} : memref<512xf32, #tpu.memory_space<vmem>>, vector<16xf32>,
    %get3A_294 = vector.shape_cast %get3A_293 : vector<16xf32> to vector<16xf32>
    %mul3A_295 = arith.mulf %get3A_294, %div3A_53 : vector<16xf32>
    %sub3A_296 = arith.subf %mul3A_295, %mul3A_57 : vector<16xf32>
    %swap3A_297 = arith.constant 384 : index
    %swap3A_298 = tpu.vector_load %arg8[%swap3A_297] {strides = array<i32>} : memref<512xf32, #tpu.memory_space<vmem>>, vector<16xf32>,
    %swap3A_299 = vector.shape_cast %swap3A_298 : vector<16xf32> to vector<16xf32>
    %swap3A_300 = vector.shape_cast %sub3A_296 : vector<16xf32> to vector<16xf32>
    tpu.vector_store %arg8[%swap3A_297], %swap3A_300 {strides = array<i32>} : memref<512xf32, #tpu.memory_space<vmem>>, vector<16xf32>,
    %get3A_301 = arith.constant 400 : index
    %get3A_302 = tpu.vector_load %arg8[%get3A_301] {strides = array<i32>} : memref<512xf32, #tpu.memory_space<vmem>>, vector<16xf32>,
    %get3A_303 = vector.shape_cast %get3A_302 : vector<16xf32> to vector<16xf32>
    %mul3A_304 = arith.mulf %get3A_303, %div3A_53 : vector<16xf32>
    %sub3A_305 = arith.subf %mul3A_304, %mul3A_57 : vector<16xf32>
    %swap3A_306 = arith.constant 400 : index
    %swap3A_307 = tpu.vector_load %arg8[%swap3A_306] {strides = array<i32>} : memref<512xf32, #tpu.memory_space<vmem>>, vector<16xf32>,
    %swap3A_308 = vector.shape_cast %swap3A_307 : vector<16xf32> to vector<16xf32>
    %swap3A_309 = vector.shape_cast %sub3A_305 : vector<16xf32> to vector<16xf32>
    tpu.vector_store %arg8[%swap3A_306], %swap3A_309 {strides = array<i32>} : memref<512xf32, #tpu.memory_space<vmem>>, vector<16xf32>,
    %get3A_310 = arith.constant 416 : index
    %get3A_311 = tpu.vector_load %arg8[%get3A_310] {strides = array<i32>} : memref<512xf32, #tpu.memory_space<vmem>>, vector<16xf32>,
    %get3A_312 = vector.shape_cast %get3A_311 : vector<16xf32> to vector<16xf32>
    %mul3A_313 = arith.mulf %get3A_312, %div3A_53 : vector<16xf32>
    %sub3A_314 = arith.subf %mul3A_313, %mul3A_57 : vector<16xf32>
    %swap3A_315 = arith.constant 416 : index
    %swap3A_316 = tpu.vector_load %arg8[%swap3A_315] {strides = array<i32>} : memref<512xf32, #tpu.memory_space<vmem>>, vector<16xf32>,
    %swap3A_317 = vector.shape_cast %swap3A_316 : vector<16xf32> to vector<16xf32>
    %swap3A_318 = vector.shape_cast %sub3A_314 : vector<16xf32> to vector<16xf32>
    tpu.vector_store %arg8[%swap3A_315], %swap3A_318 {strides = array<i32>} : memref<512xf32, #tpu.memory_space<vmem>>, vector<16xf32>,
    %get3A_319 = arith.constant 432 : index
    %get3A_320 = tpu.vector_load %arg8[%get3A_319] {strides = array<i32>} : memref<512xf32, #tpu.memory_space<vmem>>, vector<16xf32>,
    %get3A_321 = vector.shape_cast %get3A_320 : vector<16xf32> to vector<16xf32>
    %mul3A_322 = arith.mulf %get3A_321, %div3A_53 : vector<16xf32>
    %sub3A_323 = arith.subf %mul3A_322, %mul3A_57 : vector<16xf32>
    %swap3A_324 = arith.constant 432 : index
    %swap3A_325 = tpu.vector_load %arg8[%swap3A_324] {strides = array<i32>} : memref<512xf32, #tpu.memory_space<vmem>>, vector<16xf32>,
    %swap3A_326 = vector.shape_cast %swap3A_325 : vector<16xf32> to vector<16xf32>
    %swap3A_327 = vector.shape_cast %sub3A_323 : vector<16xf32> to vector<16xf32>
    tpu.vector_store %arg8[%swap3A_324], %swap3A_327 {strides = array<i32>} : memref<512xf32, #tpu.memory_space<vmem>>, vector<16xf32>,
    %get3A_328 = arith.constant 448 : index
    %get3A_329 = tpu.vector_load %arg8[%get3A_328] {strides = array<i32>} : memref<512xf32, #tpu.memory_space<vmem>>, vector<16xf32>,
    %get3A_330 = vector.shape_cast %get3A_329 : vector<16xf32> to vector<16xf32>
    %mul3A_331 = arith.mulf %get3A_330, %div3A_53 : vector<16xf32>
    %sub3A_332 = arith.subf %mul3A_331, %mul3A_57 : vector<16xf32>
    %swap3A_333 = arith.constant 448 : index
    %swap3A_334 = tpu.vector_load %arg8[%swap3A_333] {strides = array<i32>} : memref<512xf32, #tpu.memory_space<vmem>>, vector<16xf32>,
    %swap3A_335 = vector.shape_cast %swap3A_334 : vector<16xf32> to vector<16xf32>
    %swap3A_336 = vector.shape_cast %sub3A_332 : vector<16xf32> to vector<16xf32>
    tpu.vector_store %arg8[%swap3A_333], %swap3A_336 {strides = array<i32>} : memref<512xf32, #tpu.memory_space<vmem>>, vector<16xf32>,
    %get3A_337 = arith.constant 464 : index
    %get3A_338 = tpu.vector_load %arg8[%get3A_337] {strides = array<i32>} : memref<512xf32, #tpu.memory_space<vmem>>, vector<16xf32>,
    %get3A_339 = vector.shape_cast %get3A_338 : vector<16xf32> to vector<16xf32>
    %mul3A_340 = arith.mulf %get3A_339, %div3A_53 : vector<16xf32>
    %sub3A_341 = arith.subf %mul3A_340, %mul3A_57 : vector<16xf32>
    %swap3A_342 = arith.constant 464 : index
    %swap3A_343 = tpu.vector_load %arg8[%swap3A_342] {strides = array<i32>} : memref<512xf32, #tpu.memory_space<vmem>>, vector<16xf32>,
    %swap3A_344 = vector.shape_cast %swap3A_343 : vector<16xf32> to vector<16xf32>
    %swap3A_345 = vector.shape_cast %sub3A_341 : vector<16xf32> to vector<16xf32>
    tpu.vector_store %arg8[%swap3A_342], %swap3A_345 {strides = array<i32>} : memref<512xf32, #tpu.memory_space<vmem>>, vector<16xf32>,
    %get3A_346 = arith.constant 480 : index
    %get3A_347 = tpu.vector_load %arg8[%get3A_346] {strides = array<i32>} : memref<512xf32, #tpu.memory_space<vmem>>, vector<16xf32>,
    %get3A_348 = vector.shape_cast %get3A_347 : vector<16xf32> to vector<16xf32>
    %mul3A_349 = arith.mulf %get3A_348, %div3A_53 : vector<16xf32>
    %sub3A_350 = arith.subf %mul3A_349, %mul3A_57 : vector<16xf32>
    %swap3A_351 = arith.constant 480 : index
    %swap3A_352 = tpu.vector_load %arg8[%swap3A_351] {strides = array<i32>} : memref<512xf32, #tpu.memory_space<vmem>>, vector<16xf32>,
    %swap3A_353 = vector.shape_cast %swap3A_352 : vector<16xf32> to vector<16xf32>
    %swap3A_354 = vector.shape_cast %sub3A_350 : vector<16xf32> to vector<16xf32>
    tpu.vector_store %arg8[%swap3A_351], %swap3A_354 {strides = array<i32>} : memref<512xf32, #tpu.memory_space<vmem>>, vector<16xf32>,
    %get3A_355 = arith.constant 496 : index
    %get3A_356 = tpu.vector_load %arg8[%get3A_355] {strides = array<i32>} : memref<512xf32, #tpu.memory_space<vmem>>, vector<16xf32>,
    %get3A_357 = vector.shape_cast %get3A_356 : vector<16xf32> to vector<16xf32>
    %mul3A_358 = arith.mulf %get3A_357, %div3A_53 : vector<16xf32>
    %sub3A_359 = arith.subf %mul3A_358, %mul3A_57 : vector<16xf32>
    %swap3A_360 = arith.constant 496 : index
    %swap3A_361 = tpu.vector_load %arg8[%swap3A_360] {strides = array<i32>} : memref<512xf32, #tpu.memory_space<vmem>>, vector<16xf32>,
    %swap3A_362 = vector.shape_cast %swap3A_361 : vector<16xf32> to vector<16xf32>
    %swap3A_363 = vector.shape_cast %sub3A_359 : vector<16xf32> to vector<16xf32>
    tpu.vector_store %arg8[%swap3A_360], %swap3A_363 {strides = array<i32>} : memref<512xf32, #tpu.memory_space<vmem>>, vector<16xf32>,
    %add3A_364 = arith.constant 192 : i32
    %add3A_365 = arith.addi %mul3A_2, %add3A_364 : i32
    %dma_start3A_366 = arith.constant 192 : i32
    %dma_start3A_367 = tpu.memref_slice %arg8[%dma_start3A_366] : memref<512xf32, #tpu.memory_space<vmem>> -> memref<320xf32, #tpu.memory_space<vmem>>
    %dma_start3A_368 = tpu.memref_slice %arg6[%add3A_365] : memref<16384xf32, #tpu.memory_space<hbm>> -> memref<320xf32, #tpu.memory_space<hbm>>
    %dma_start3A_369 = tpu.memref_slice %arg6[%add3A_365] : memref<16384xf32, #tpu.memory_space<hbm>> -> memref<320xf32, #tpu.memory_space<hbm>>
    %dma_start3A_370 = arith.constant 192 : i32
    %dma_start3A_371 = tpu.memref_slice %arg8[%dma_start3A_370] : memref<512xf32, #tpu.memory_space<vmem>> -> memref<320xf32, #tpu.memory_space<vmem>>
    tpu.enqueue_dma source(%dma_start3A_371 : memref<320xf32, #tpu.memory_space<vmem>>) target(%dma_start3A_369 : memref<320xf32, #tpu.memory_space<hbm>>) target_semaphore(%arg16 : memref<!tpu.dma_semaphore, #tpu.memory_space<semaphore_mem>>)
    %dma_wait3A_372 = arith.constant 0 : i32
    %dma_wait3A_373 = tpu.memref_slice %arg8[%dma_wait3A_372] : memref<512xf32, #tpu.memory_space<vmem>> -> memref<192xf32, #tpu.memory_space<vmem>>
    %dma_wait3A_374 = tpu.memref_slice %arg6[%add3A_171] : memref<16384xf32, #tpu.memory_space<hbm>> -> memref<192xf32, #tpu.memory_space<hbm>>
    %dma_wait3A_375 = tpu.memref_slice %arg6[%add3A_171] : memref<16384xf32, #tpu.memory_space<hbm>> -> memref<192xf32, #tpu.memory_space<hbm>>
    %dma_wait3A_376 = arith.constant 0 : i32
    %dma_wait3A_377 = tpu.memref_slice %arg8[%dma_wait3A_376] : memref<512xf32, #tpu.memory_space<vmem>> -> memref<192xf32, #tpu.memory_space<vmem>>
    tpu.wait_dma2 semaphore(%arg15 : memref<!tpu.dma_semaphore, #tpu.memory_space<semaphore_mem>>) src(%dma_wait3A_377 : memref<192xf32, #tpu.memory_space<vmem>>) dst(%dma_wait3A_375 : memref<192xf32, #tpu.memory_space<hbm>>)
    %dma_wait3A_378 = arith.constant 192 : i32
    %dma_wait3A_379 = tpu.memref_slice %arg8[%dma_wait3A_378] : memref<512xf32, #tpu.memory_space<vmem>> -> memref<320xf32, #tpu.memory_space<vmem>>
    %dma_wait3A_380 = tpu.memref_slice %arg6[%add3A_365] : memref<16384xf32, #tpu.memory_space<hbm>> -> memref<320xf32, #tpu.memory_space<hbm>>
    %dma_wait3A_381 = tpu.memref_slice %arg6[%add3A_365] : memref<16384xf32, #tpu.memory_space<hbm>> -> memref<320xf32, #tpu.memory_space<hbm>>
    %dma_wait3A_382 = arith.constant 192 : i32
    %dma_wait3A_383 = tpu.memref_slice %arg8[%dma_wait3A_382] : memref<512xf32, #tpu.memory_space<vmem>> -> memref<320xf32, #tpu.memory_space<vmem>>
    tpu.wait_dma2 semaphore(%arg16 : memref<!tpu.dma_semaphore, #tpu.memory_space<semaphore_mem>>) src(%dma_wait3A_383 : memref<320xf32, #tpu.memory_space<vmem>>) dst(%dma_wait3A_381 : memref<320xf32, #tpu.memory_space<hbm>>)
    return
  }
}

</mosaic_0001>

<sc_bundles>
// kernel: kernel.3.cloned.1.call-start
scs
__scs_entry_jumppad:
0x0: {  	(pc) =	sbr.rel $0x88, $3  }
0x1: {  	(tag) =	ssettag $0x0;
	lr =	simm.s32 $0x1  }
0x2: {  	[smem:$0x3F9D] =	sst lr;
	_ =	strace $0xD0000000  }
0x3: {  	_ = 	snop  }
0x4: {  	_ = 	snop  }
0x5: {  	_ = 	snop  }
0x6: {  	_ = 	snop  }
0x7: {  	_ = 	snop  }
__scs_overlays_trampoline_lowered:
0x8: {  	[smem:$0x3FAC] =	sst s0  }
0x9: {  	[smem:$0x3FAD] =	sst s1  }
0xa: {  	[smem:$0x3FAE] =	sst s2  }
0xb: {  	[smem:$0x3FAF] =	sst s3  }
0xc: {  	[smem:$0x3FB0] =	sst s4  }
0xd: {  	[smem:$0x3FB1] =	sst s5  }
0xe: {  	[smem:$0x3FB2] =	sst s6  }
0xf: {  	[smem:$0x3FB3] =	sst s7  }
0x10: {  	[smem:$0x3FB4] =	sst s8  }
0x11: {  	[smem:$0x3FB5] =	sst s9;
	s0 =	simm.s32 @!p0 $0x0  }
0x12: {  	s1 =	sld [smem:$0x3F9B];
	s0 =	simm.s32 @p0 $0x1  }
0x13: {  	[smem:$0x3FB6] =	sst s0;
	s0 =	simm.s32 @!p1 $0x0  }
0x14: {  	s2 =	sld [smem:$0x3F9A];
	s0 =	simm.s32 @p1 $0x1  }
0x15: {  	[smem:$0x3FB7] =	sst s0;
	s0 =	simm.s32 @!p2 $0x0  }
0x16: {  	s3 =	sld [smem:$0x3FDB];
	s0 =	simm.s32 @p2 $0x1  }
0x17: {  	s4 =	simm.s32 $0x1BF5;
	[smem:$0x3FB9] =	sst s0  }
0x18: {  	s0 =	sld [smem:$0x3F9C];
	_ =	swait.ge [sflag:s4], $0x0  }
0x19: {  	s7 =	sld [smem:$0x3F9D]  }
0x1a: {  	s8 =	sadd.s32 $0xFFFFE003, lr  }
0x1b: {  	s9 =	sadd.s32 $0xFFFFFEF7, lr;
	s5 =	simm.s32 $0xFFFFFFFF;
	p2 =	slt.u32 s8, $0xFFFFF086  }
0x1c: {  	p1 =	slt.u32 s9, $0xF7A;
	s5 =	simm.s32 @!p2 $0x0  }
0x1d: {  	s5 =	simm.s32 @p1 $0x1;
	p0 =	seq.s32 s7, s2  }
0x1e: {  	s7 =	smul.u32 @!p0 $0xF7A, s2;
	p2 =	seq.s32 @!p0 s5, $0x0  }
0x1f: {  	s9 =	smul.u32 $0xF7A, s1;
	s8 =	simm.s32 @!p0 $0x1BF5;
	p2 =	por !p2, p0  }
0x20: {  	[sflag:s8] =	ssyncset.s32 @!p0 $0xFFFFF086;
	s6 =	sadd.s32 @!p0 s3, s7;
	s7 =	simm.s32 @!p0 $0x108  }
0x21: {  	s3 =	sadd.s32 s3, s9;
	s6 =	sadd.s32 @!p0 $0x88, s6;
	s7 =	simm.s32 @p2 $0x1082  }
0x22: {  	[simem:s7], [sflag:s8] =	dma.local @!p0 [hbm:s6], $0xF7A  }
0x23: {  	s9 =	sor.u32 $0xD0000000, s2;
	s6 =	simm.s32 $0x108;
	_ =	swait.ge @!p0 [sflag:s8], $0x0  }
0x24: {  	s3 =	sadd.s32 $0x88, s3;
	s6 =	simm.s32 @!p1 $0x1082;
	[sflag:s4] =	ssyncset.s32 $0xFFFFF086  }
0x25: {  	[simem:s6], [sflag:s4] =	dma.local [hbm:s3], $0xF7A  }
0x26: {  	[smem:$0x3F9D] =	sst s1;
	(tag) =	ssettag s2;
	_ =	strace s9  }
0x27: {  	s1 =	sld [smem:$0x3FAD]  }
0x28: {  	s2 =	sld [smem:$0x3FAE]  }
0x29: {  	s4 =	sld [smem:$0x3FB0]  }
0x2a: {  	p0 =	seq.s32 s5, $0x0;
	s5 =	sld [smem:$0x3FB1]  }
0x2b: {  	s6 =	sld [smem:$0x3FB2]  }
0x2c: {  	s7 =	sld [smem:$0x3FB3]  }
0x2d: {  	s3 =	simm.s32 $0x108;
	s8 =	sld [smem:$0x3FB4]  }
0x2e: {  	s3 =	simm.s32 @!p0 $0x1082;
	s9 =	sld [smem:$0x3FB5]  }
0x2f: {  	lr =	sadd.s32 s0, s3;
	s0 =	sld [smem:$0x3FAC]  }
0x30: {  	s3 =	sld [smem:$0x3FAF]  }
0x31: {  	[smem:$0x3FB8] =	sst s10  }
0x32: {  	s10 =	sld [smem:$0x3FB6];
	_ =	sdelay $0x3  }
0x33: {  	p0 =	seq.s32 s10, $0x1;
	s10 =	sld [smem:$0x3FB8];
	_ =	sdelay $0x3  }
0x34: {  	[smem:$0x3FB8] =	sst s10  }
0x35: {  	s10 =	sld [smem:$0x3FB7];
	_ =	sdelay $0x3  }
0x36: {  	p1 =	seq.s32 s10, $0x1;
	s10 =	sld [smem:$0x3FB8];
	_ =	sdelay $0x3  }
0x37: {  	[smem:$0x3FB8] =	sst s10  }
0x38: {  	s10 =	sld [smem:$0x3FB9]  }
0x39: {  	_ = 	snop;
	(pc) =	sbr.ind lr, $3  }
0x3a: {  	_ = 	snop  }
0x3b: {  	_ = 	snop  }
0x3c: {  	p2 =	seq.s32 s10, $0x1;
	s10 =	sld [smem:$0x3FB8]  }
0x3d: {  	_ =	shalt  }
0x3e: {  	_ =	shalt  }
0x3f: {  	_ =	shalt  }
0x40: {  	_ =	shalt  }
0x41: {  	_ =	shalt  }
0x42: {  	_ =	shalt  }
0x43: {  	_ =	shalt  }
0x44: {  	_ =	shalt  }
0x45: {  	_ =	shalt  }
0x46: {  	_ =	shalt  }
0x47: {  	_ =	shalt  }
0x48: {  	_ =	shalt  }
0x49: {  	_ =	shalt  }
0x4a: {  	_ =	shalt  }
0x4b: {  	_ =	shalt  }
0x4c: {  	_ =	shalt  }
0x4d: {  	_ =	shalt  }
0x4e: {  	_ =	shalt  }
0x4f: {  	_ =	shalt  }
0x50: {  	_ =	shalt  }
0x51: {  	_ =	shalt  }
0x52: {  	_ =	shalt  }
0x53: {  	_ =	shalt  }
0x54: {  	_ =	shalt  }
0x55: {  	_ =	shalt  }
0x56: {  	_ =	shalt  }
0x57: {  	_ =	shalt  }
0x58: {  	_ =	shalt  }
0x59: {  	_ =	shalt  }
0x5a: {  	_ =	shalt  }
0x5b: {  	_ =	shalt  }
0x5c: {  	_ =	shalt  }
0x5d: {  	_ =	shalt  }
0x5e: {  	_ =	shalt  }
0x5f: {  	_ =	shalt  }
0x60: {  	_ =	shalt  }
0x61: {  	_ =	shalt  }
0x62: {  	_ =	shalt  }
0x63: {  	_ =	shalt  }
0x64: {  	_ =	shalt  }
0x65: {  	_ =	shalt  }
0x66: {  	_ =	shalt  }
0x67: {  	_ =	shalt  }
0x68: {  	_ =	shalt  }
0x69: {  	_ =	shalt  }
0x6a: {  	_ =	shalt  }
0x6b: {  	_ =	shalt  }
0x6c: {  	_ =	shalt  }
0x6d: {  	_ =	shalt  }
0x6e: {  	_ =	shalt  }
0x6f: {  	_ =	shalt  }
0x70: {  	_ =	shalt  }
0x71: {  	_ =	shalt  }
0x72: {  	_ =	shalt  }
0x73: {  	_ =	shalt  }
0x74: {  	_ =	shalt  }
0x75: {  	_ =	shalt  }
0x76: {  	_ =	shalt  }
0x77: {  	_ =	shalt  }
0x78: {  	_ =	shalt  }
0x79: {  	_ =	shalt  }
0x7a: {  	_ =	shalt  }
0x7b: {  	_ =	shalt  }
0x7c: {  	_ =	shalt  }
0x7d: {  	_ =	shalt  }
0x7e: {  	_ =	shalt  }
0x7f: {  	_ =	shalt  }
0x80: {  	_ =	shalt  }
0x81: {  	_ =	shalt  }
0x82: {  	_ =	shalt  }
0x83: {  	_ =	shalt  }
0x84: {  	_ =	shalt  }
0x85: {  	_ =	shalt  }
0x86: {  	_ =	shalt  }
0x87: {  	_ =	shalt  }
.Lfunc_end0:
.L_simem_size_0:
called_computation_lowered:
.L_overlay_start_0:
0x88: {  	s2 =	sld [smem:$0x3FD9]  }
0x89: {  	s3 =	sld [smem:$0x3FFE];
	_ =	sdelay $0x1  }
0x8a: {  	s1 =	srdreg.scid  }
0x8b: {  	s0 =	sand.u32 $0x1, s1  }
0x8c: {  	s17 =	sshll.u32 s0, $0xA;
	s2 =	sadd.s32 s3, s2  }
0x8d: {  	s2 =	sadd.s32 s2, s17  }
0x8e: {  	[smem:$0x3FC4] =	sst s2  }
0x8f: {  	_ = 	snop  }
0x90: {  	s2 =	sld [smem:$0x3FC9]  }
0x91: {  	s18 =	sld [smem:$0x3FC7]  }
0x92: {  	s4 =	sld [smem:$0x3FC6]  }
0x93: {  	s5 =	sld [smem:$0x3FD0];
	(tm) =	ssettm $0x1  }
0x94: {  	s6 =	sld [smem:$0x3FFB];
	_ =	sdelay $0x3  }
0x95: {  	_ =	strace s6  }
0x96: {  	s6 =	sld [smem:$0x3FFC];
	_ =	sdelay $0x3  }
0x97: {  	_ =	strace s6  }
0x98: {  	s6 =	sld [smem:$0x3FFD];
	_ =	sdelay $0x3  }
0x99: {  	_ =	strace s6  }
0x9a: {  	_ =	strace $0x8FFFFFFF  }
0x9b: {  	s19 =	sld [smem:$0x3FDB];
	_ =	sdelay $0x1  }
0x9c: {  	s7 =	simm.s32 $_scs_section_size  }
0x9d: {  	s8 =	simm.s32 $_size__tile_overlayer_lowered;
	s9 =	simm.s32 $_tile_overlayer_lowered  }
0x9e: {  	s22 =	simm.s32 $0x1BFF;
	s21 =	sshll.u32 s9, $0x1;
	s6 =	sadd.s32 s7, s19  }
0x9f: {  	s10 =	simm.s32 $0x0;
	s20 =	sshll.u32 s8, $0x1;
	s8 =	sadd.s32 s21, s6  }
0xa0: {  	[timem:s10], [sflag:s22] =	dma.local [hbm:s8], s20  }
0xa1: {  	_ =	swait.ge [sflag:s22], s20  }
0xa2: {  	s7 =	ssub.s32 $0x0, s20;
	[sflag:s22] =	ssyncset.done $0x0  }
0xa3: {  	[sflag:s22] =	ssyncadd.s32 s7;
	_ =	sdelay $0x1  }
0xa4: {  	s23 =	simm.s32 $0x1B8B  }
0xa5: {  	_ =	swait.ge [sflag:s23], $0x1  }
0xa6: {  	[sflag:s23] =	ssyncset.done $0x0  }
0xa7: {  	s25 =	simm.s32 $0x1B8E;
	s24 =	sld [smem:$0x3FFE];
	[sflag:s23] =	ssyncadd.s32 $0xFFFFFFFF  }
0xa8: {  	s26 =	simm.s32 $execute0_lowered;
	[smem:$0x3FD2] =	sst s25  }
0xa9: {  	s8 =	sshll.u32 s26, $0x1;
	_ =	strace $0x80000046;
	[dreg:$0x1] =	wrdreg $0xFFFFFFFF  }
0xaa: {  	s28 =	simm.s32 $_size_execute0_lowered;
	s6 =	sadd.s32 s6, s8;
	[dreg:$0x0] =	wrdreg $0x0  }
0xab: {  	s8 =	sshll.u32 s28, $0x1;
	[dreg:$0x2] =	wrdreg s6  }
0xac: {  	[dreg:$0x3] =	wrdreg s8  }
0xad: {  	[dreg:$0x4] =	wrdreg $0xC0  }
0xae: {  	_ =	task [dreg:s10], $0x5FFFF  }
0xaf: {  	[dreg:$0x1] =	wrdreg $0xFFFFFFFF  }
0xb0: {  	[dreg:$0x0] =	wrdreg $0x60  }
0xb1: {  	[dreg:$0x2] =	wrdreg s24  }
0xb2: {  	[dreg:$0x3] =	wrdreg s2  }
0xb3: {  	[dreg:$0x4] =	wrdreg s18  }
0xb4: {  	[dreg:$0x5] =	wrdreg s4  }
0xb5: {  	[dreg:$0x6] =	wrdreg s5  }
0xb6: {  	[dreg:$0x7] =	wrdreg $0x9  }
0xb7: {  	_ =	task.clear_ibuf [dreg:s10], $0x8FFFF;
	_ =	strace $0x90000046  }
0xb8: {  	s29 =	simm.s32 $0x9;
	_ =	strace $0x80000048  }
0xb9: {  	_ =	swait.ge [sflag:s29], $0x1  }
0xba: {  	[sflag:s29] =	ssyncadd.s32 $0xFFFFFFFF  }
0xbb: {  	_ =	strace $0x90000048  }
0xbc: {  	_ =	sfence  }
0xbd: {  	s30 =	sld [smem:$0x0];
	_ =	sdelay $0x2  }
0xbe: {  	s31 =	sshll.u32 s1, $0xD;
	s1 =	sshrl.u32 s1, $0x2  }
0xbf: {  	s3 =	sand.u32 $0x4000, s31;
	s1 =	sadd.s32 s1, s30  }
0xc0: {  	s0 =	sor.u32 s3, s0;
	s1 =	sshll.u32 s1, $0x11  }
0xc1: {  	s0 =	sor.u32 s1, s0  }
0xc2: {  	s0 =	sadd.s32 $0x8F2B, s0  }
0xc3: {  	[sflag:s0] =	ssyncadd.remote.s32 $0x1  }
0xc4: {  	_ =	sfence.sel $0xFFFF  }
0xc5: {  	[dreg:$0x0] =	wrdreg $0xFFFFFFFF;
	(pc) =	sbr.abs _section_cstart, $3  }
0xc6: {  	[dreg:$0x1] =	wrdreg $0xFFFFFFFF  }
0xc7: {  	_ =	task.clear_ibuf [dreg:s10], $0x2FFFF;
	_ =	strace $0x9FFFFFFF  }
0xc8: {  	(tm) =	ssettm $0x7FFFFFFF  }
0xc9: {  	_ =	shalt  }
tec
execute0_lowered:
.L_overlay_start_1:
0x0: {  	(tag) =	ssettag $0x1  }
0x1: {  	s4 =	rddreg [dreg:$0x0]  }
0x2: {  	s3 =	rddreg [dreg:$0x1]  }
0x3: {  	s5 =	rddreg [dreg:$0x2]  }
0x4: {  	s6 =	rddreg [dreg:$0x3]  }
0x5: {  	s15 =	rddreg [dreg:$0x4];
	s2 =	srdreg.scid  }
0x6: {  	s0 =	rddreg [dreg:$0x5];
	s1 =	stileid.u32;
	s17 =	sand.u32 $0x1, s2  }
0x7: {  	s2 =	simm.s32 $0x0;
	s7 =	sshll.u32 s1, $0x7;
	s8 =	sshll.u32 s17, $0x6  }
0x8: {  	[smem:$0x7FF] =	sst s2;
	s22 =	sor.u32 s8, s7  }
0x9: {  	v0 =	vimm.s32 $0x0;
	_ =	strace $0x80000047;
	s7 =	sadd.s32 s3, s22;
	s16 =	sor.u32 $0x18, s22  }
0xa: {  	[tilespmem:s2], [sflag:$0x1] =	stream.linear.gather [hbm4b:s7+s2], $0xC0, $0x38;
	[tilespmem:$0x500] =	vst v63  }
0xb: {  	s9 =	simm.s32 $0xC0;
	s8 =	sadd.s32 s3, s16  }
0xc: {  	[tilespmem:s9], [sflag:$0x2] =	stream.linear.gather [hbm4b:s8+s2], $0x140, $0x38;
	[tilespmem:$0x500] =	vst v63  }
0xd: {  	vm0 =	vmmov $0xffff;
	s10 =	simm.s32 $0x400  }
0xe: {  	[tilespmem:s10], [sflag:$0x7] =	stream.indirect_vreg.gather [hbm4b:s5+s2], $0x1, v0, vm0, $0xb8;
	[tilespmem:$0x500] =	vst v63  }
0xf: {  	s11 =	simm.s32 $0x480;
	s12 =	simm.s32 $0x1  }
0x10: {  	[tilespmem:s11], [sflag:$0x8] =	stream.indirect_vreg.gather [hbm4b:s6+s2], $0x1, v0, vm0, $0xb8;
	[tilespmem:$0x500] =	vst v63  }
0x11: {  	_ =	swait.ge [sflag:s12], $0xC0  }
0x12: {  	[sflag:s12] =	ssyncset.done $0x0  }
0x13: {  	s13 =	simm.s32 $0x200;
	s14 =	simm.s32 $0x2;
	[sflag:s12] =	ssyncadd.s32 $0xFFFFFF40  }
0x14: {  	[tilespmem:s13], [sflag:$0x3] =	stream.indirect.gather [hbm4b:s4+s9], $0x1, s2, s9, $0xb8;
	[tilespmem:$0x500] =	vst v63  }
0x15: {  	_ =	swait.ge [sflag:s14], $0x140  }
0x16: {  	s18 =	simm.s32 $0x140;
	[sflag:s14] =	ssyncset.done $0x0  }
0x17: {  	s19 =	simm.s32 $0x7;
	s3 =	simm.s32 $0x2C0;
	[sflag:s14] =	ssyncadd.s32 $0xFFFFFEC0  }
0x18: {  	[tilespmem:s3], [sflag:$0x4] =	stream.indirect.gather [hbm4b:s4+s18], $0x1, s9, s18, $0xb8;
	[tilespmem:$0x500] =	vst v63  }
0x19: {  	_ =	swait.ge [sflag:s19], $0x10  }
0x1a: {  	[sflag:s19] =	ssyncset.done $0x0  }
0x1b: {  	s20 =	simm.s32 $0x8;
	[sflag:s19] =	ssyncadd.s32 $0xFFFFFFF0  }
0x1c: {  	_ =	swait.ge [sflag:s20], $0x10  }
0x1d: {  	[sflag:s20] =	ssyncset.done $0x0  }
0x1e: {  	[sflag:s20] =	ssyncadd.s32 $0xFFFFFFF0  }
0x1f: {  	v1 =	vld [tilespmem:$0x480];
	_ =	sdelay $0x2  }
0x20: {  	s21 =	simm.s32 $0x3  }
0x21: {  	v3 =	vld [tilespmem:$0x400];
	_ =	swait.ge [sflag:s21], $0xC0  }
0x22: {  	(erf) = vrcp.f32 v1;
	_ =	sdelay $0x2  }
0x23: {  	[sflag:s21] =	ssyncset.done $0x0  }
0x24: {  	[sflag:s21] =	ssyncadd.s32 $0xFFFFFF40  }
0x25: {  	v4 =	vld [tilespmem:$0x220]  }
0x26: {  	v5 =	vld [tilespmem:$0x250]  }
0x27: {  	v7 =	vld [tilespmem:$0x260]  }
0x28: {  	v8 =	vld [tilespmem:$0x230]  }
0x29: {  	v6 =	vld [tilespmem:$0x240];
	v2 =	vpop (erf)  }
0x2a: {  	v11 =	vld [tilespmem:$0x280];
	v1 =	vmul.f32 v2, v3;
	v3 =	vmul.f32 v4, v2  }
0x2b: {  	v9 =	vld [tilespmem:$0x210];
	v5 =	vmul.f32 v5, v2  }
0x2c: {  	v4 =	vld [tilespmem:$0x270];
	v7 =	vmul.f32 v7, v2;
	v3 =	vsub.f32 v3, v1  }
0x2d: {  	v10 =	vld [tilespmem:$0x290];
	v8 =	vmul.f32 v8, v2;
	v5 =	vsub.f32 v5, v1  }
0x2e: {  	v12 =	vld [tilespmem:$0x200];
	v6 =	vmul.f32 v6, v2;
	v7 =	vsub.f32 v7, v1;
	[tilespmem:$0x220] =	vst v3  }
0x2f: {  	v59 =	vld [tilespmem:$0x2B0];
	v60 =	vmul.f32 v11, v2;
	v8 =	vsub.f32 v8, v1;
	[tilespmem:$0x250] =	vst v5  }
0x30: {  	v58 =	vmul.f32 v9, v2;
	v3 =	vsub.f32 v6, v1;
	v5 =	vld [tilespmem:$0x2A0];
	[tilespmem:$0x260] =	vst v7  }
0x31: {  	v62 =	vsub.f32 v60, v1;
	[tilespmem:$0x230] =	vst v8;
	v4 =	vmul.f32 v4, v2  }
0x32: {  	v6 =	vsub.f32 v58, v1;
	[tilespmem:$0x240] =	vst v3;
	v3 =	vmul.f32 v10, v2  }
0x33: {  	v61 =	vmul.f32 v12, v2;
	[tilespmem:$0x280] =	vst v62;
	v4 =	vsub.f32 v4, v1  }
0x34: {  	v63 =	vmul.f32 v59, v2;
	[tilespmem:$0x210] =	vst v6;
	v3 =	vsub.f32 v3, v1  }
0x35: {  	s17 =	ssub.s32 $0x2, s17;
	[tilespmem:$0x270] =	vst v4;
	v4 =	vsub.f32 v61, v1;
	v5 =	vmul.f32 v5, v2  }
0x36: {  	s24 =	sshrl.u32 s17, $0x1;
	[tilespmem:$0x290] =	vst v3;
	v3 =	vsub.f32 v63, v1  }
0x37: {  	s17 =	ssub.s32 s17, s24;
	v5 =	vsub.f32 v5, v1;
	[tilespmem:$0x200] =	vst v4  }
0x38: {  	s24 =	smax.u32 s17, $0x1;
	[tilespmem:$0x2B0] =	vst v3  }
0x39: {  	s22 =	sadd.s32 s15, s22;
	p0 =	sne.s32 s24, $0x1;
	[tilespmem:$0x2A0] =	vst v5  }
0x3a: {  	[hbm4b:s22+s2] =	stream.linear.scatter [tilespmem:s13], [sflag:$0x5], $0xC0, $0x38;
	[tilespmem:$0x500] =	vst v63  }
.Ltmp0:
0x3b: {  	s23 =	simm.s32 $0x4;
	(pc) =	sbr.rel @!p0 .LBB2_2-.Ltmp0, $4  }
0x3c: {  	_ =	swait.ge [sflag:s23], $0x140  }
0x3d: {  	[sflag:s23] =	ssyncset.done $0x0  }
0x3e: {  	s16 =	sadd.s32 s15, s16;
	[sflag:s23] =	ssyncadd.s32 $0xFFFFFEC0  }
0x3f: {  	s17 =	simm.s32 $0x5;
	s15 =	simm.s32 $0x6;
	s24 =	sadd.s32 $0xFFFFFFFF, s24;
	v3 =	vld [tilespmem:$0x3A0]  }
.LBB2_1:
0x40: {  	p0 =	sne.s32 s24, $0x1;
	s24 =	sadd.s32 $0xFFFFFFFF, s24;
	v4 =	vld [tilespmem:$0x360]  }
0x41: {  	v5 =	vld [tilespmem:$0x330]  }
0x42: {  	v6 =	vld [tilespmem:$0x340]  }
0x43: {  	v7 =	vld [tilespmem:$0x2C0]  }
0x44: {  	v8 =	vld [tilespmem:$0x2F0];
	v3 =	vmul.f32 v3, v2  }
0x45: {  	v9 =	vld [tilespmem:$0x310]  }
0x46: {  	v10 =	vld [tilespmem:$0x300];
	v3 =	vsub.f32 v3, v1  }
0x47: {  	v11 =	vld [tilespmem:$0x2D0];
	v6 =	vmul.f32 v6, v2  }
0x48: {  	v7 =	vmul.f32 v7, v2;
	v12 =	vld [tilespmem:$0x320];
	[tilespmem:$0x3A0] =	vst v3  }
0x49: {  	v3 =	vld [tilespmem:$0x2E0];
	v8 =	vmul.f32 v8, v2;
	v6 =	vsub.f32 v6, v1  }
0x4a: {  	v5 =	vmul.f32 v5, v2;
	v7 =	vsub.f32 v7, v1;
	v9 =	vmul.f32 v9, v2;
	v13 =	vld [tilespmem:$0x350]  }
0x4b: {  	v4 =	vmul.f32 v4, v2;
	v8 =	vsub.f32 v8, v1;
	v10 =	vmul.f32 v10, v2;
	[tilespmem:$0x340] =	vst v6;
	v6 =	vld [tilespmem:$0x380]  }
0x4c: {  	v5 =	vsub.f32 v5, v1;
	[tilespmem:$0x2C0] =	vst v7;
	v7 =	vmul.f32 v11, v2;
	v9 =	vsub.f32 v9, v1;
	v11 =	vld [tilespmem:$0x390]  }
0x4d: {  	v4 =	vsub.f32 v4, v1;
	[tilespmem:$0x2F0] =	vst v8;
	v8 =	vsub.f32 v10, v1;
	v10 =	vmul.f32 v12, v2;
	v12 =	vld [tilespmem:$0x370]  }
0x4e: {  	v7 =	vsub.f32 v7, v1;
	v3 =	vmul.f32 v3, v2;
	[tilespmem:$0x330] =	vst v5;
	v5 =	vld [tilespmem:$0x3B0]  }
0x4f: {  	v10 =	vsub.f32 v10, v1;
	v13 =	vmul.f32 v13, v2;
	[tilespmem:$0x360] =	vst v4;
	v4 =	vld [tilespmem:$0x3C0]  }
0x50: {  	[tilespmem:$0x2D0] =	vst v7;
	v3 =	vsub.f32 v3, v1;
	v6 =	vmul.f32 v6, v2;
	v7 =	vld [tilespmem:$0x3D0]  }
0x51: {  	[tilespmem:$0x300] =	vst v8;
	v8 =	vsub.f32 v13, v1;
	v11 =	vmul.f32 v11, v2;
	v13 =	vld [tilespmem:$0x3E0]  }
0x52: {  	[tilespmem:$0x2E0] =	vst v3;
	v3 =	vmul.f32 v12, v2;
	v6 =	vsub.f32 v6, v1;
	v12 =	vld [tilespmem:$0x3F0]  }
0x53: {  	[tilespmem:$0x310] =	vst v9;
	v9 =	vsub.f32 v11, v1;
	v5 =	vmul.f32 v5, v2  }
0x54: {  	[tilespmem:$0x380] =	vst v6;
	v4 =	vmul.f32 v4, v2  }
0x55: {  	v3 =	vsub.f32 v3, v1;
	[tilespmem:$0x320] =	vst v10;
	v5 =	vsub.f32 v5, v1;
	v6 =	vmul.f32 v7, v2  }
0x56: {  	[tilespmem:$0x350] =	vst v8;
	v4 =	vsub.f32 v4, v1;
	v7 =	vmul.f32 v13, v2  }
0x57: {  	[tilespmem:$0x370] =	vst v3;
	v3 =	vsub.f32 v6, v1;
	v2 =	vmul.f32 v12, v2  }
0x58: {  	[tilespmem:$0x3C0] =	vst v4;
	v4 =	vsub.f32 v7, v1  }
0x59: {  	[tilespmem:$0x3D0] =	vst v3;
	v1 =	vsub.f32 v2, v1  }
0x5a: {  	[tilespmem:$0x3B0] =	vst v5  }
0x5b: {  	[tilespmem:$0x3E0] =	vst v4  }
0x5c: {  	[tilespmem:$0x3F0] =	vst v1  }
0x5d: {  	[tilespmem:$0x390] =	vst v9  }
0x5e: {  	[hbm4b:s16+s2] =	stream.linear.scatter [tilespmem:s3], [sflag:$0x6], $0x140, $0x38;
	[tilespmem:$0x500] =	vst v63  }
0x5f: {  	_ =	swait.ge [sflag:s17], $0xC0  }
0x60: {  	[sflag:s17] =	ssyncset.done $0x0  }
0x61: {  	[sflag:s17] =	ssyncadd.s32 $0xFFFFFF40  }
0x62: {  	_ =	swait.ge [sflag:s15], $0x140  }
0x63: {  	[sflag:s15] =	ssyncset.done $0x0  }
0x64: {  	[sflag:s15] =	ssyncadd.s32 $0xFFFFFEC0  }
0x65: {  	[tilespmem:s2], [sflag:$0x1] =	stream.linear.gather [hbm4b:s7+s2], $0xC0, $0x38;
	[tilespmem:$0x500] =	vst v63  }
0x66: {  	_ = 	snop  }
0x67: {  	[tilespmem:s9], [sflag:$0x2] =	stream.linear.gather [hbm4b:s8+s2], $0x140, $0x38;
	[tilespmem:$0x500] =	vst v63  }
0x68: {  	_ = 	snop  }
0x69: {  	[tilespmem:s10], [sflag:$0x7] =	stream.indirect_vreg.gather [hbm4b:s5+s2], $0x1, v0, vm0, $0xb8;
	[tilespmem:$0x500] =	vst v63  }
0x6a: {  	_ = 	snop  }
0x6b: {  	[tilespmem:s11], [sflag:$0x8] =	stream.indirect_vreg.gather [hbm4b:s6+s2], $0x1, v0, vm0, $0xb8;
	[tilespmem:$0x500] =	vst v63  }
0x6c: {  	_ =	swait.ge [sflag:s12], $0xC0  }
0x6d: {  	[sflag:s12] =	ssyncset.done $0x0  }
0x6e: {  	[sflag:s12] =	ssyncadd.s32 $0xFFFFFF40  }
0x6f: {  	[tilespmem:s13], [sflag:$0x3] =	stream.indirect.gather [hbm4b:s4+s9], $0x1, s2, s9, $0xb8;
	[tilespmem:$0x500] =	vst v63  }
0x70: {  	_ =	swait.ge [sflag:s14], $0x140  }
0x71: {  	[sflag:s14] =	ssyncset.done $0x0  }
0x72: {  	[sflag:s14] =	ssyncadd.s32 $0xFFFFFEC0  }
0x73: {  	[tilespmem:s3], [sflag:$0x4] =	stream.indirect.gather [hbm4b:s4+s18], $0x1, s9, s18, $0xb8;
	[tilespmem:$0x500] =	vst v63  }
0x74: {  	_ =	swait.ge [sflag:s19], $0x10  }
0x75: {  	[sflag:s19] =	ssyncset.done $0x0  }
0x76: {  	[sflag:s19] =	ssyncadd.s32 $0xFFFFFFF0  }
0x77: {  	_ =	swait.ge [sflag:s20], $0x10  }
0x78: {  	[sflag:s20] =	ssyncset.done $0x0  }
0x79: {  	[sflag:s20] =	ssyncadd.s32 $0xFFFFFFF0  }
0x7a: {  	v1 =	vld [tilespmem:$0x480]  }
0x7b: {  	v3 =	vld [tilespmem:$0x400];
	_ =	sdelay $0x2  }
0x7c: {  	_ =	swait.ge [sflag:s21], $0xC0  }
0x7d: {  	[sflag:s21] =	ssyncset.done $0x0;
	(erf) = vrcp.f32 v1  }
0x7e: {  	[sflag:s21] =	ssyncadd.s32 $0xFFFFFF40  }
0x7f: {  	v4 =	vld [tilespmem:$0x220]  }
0x80: {  	v1 =	vld [tilespmem:$0x230]  }
0x81: {  	v5 =	vld [tilespmem:$0x260]  }
0x82: {  	v6 =	vld [tilespmem:$0x240]  }
0x83: {  	v7 =	vld [tilespmem:$0x200]  }
0x84: {  	v8 =	vld [tilespmem:$0x250]  }
0x85: {  	v9 =	vld [tilespmem:$0x210]  }
0x86: {  	v10 =	vld [tilespmem:$0x270];
	v2 =	vpop (erf)  }
0x87: {  	v11 =	vmul.f32 v1, v2;
	v6 =	vmul.f32 v6, v2;
	v12 =	vld [tilespmem:$0x280]  }
0x88: {  	v1 =	vmul.f32 v2, v3;
	v3 =	vmul.f32 v4, v2;
	v4 =	vld [tilespmem:$0x290]  }
0x89: {  	v5 =	vmul.f32 v5, v2;
	v8 =	vmul.f32 v8, v2;
	v13 =	vld [tilespmem:$0x2A0]  }
0x8a: {  	v7 =	vmul.f32 v7, v2;
	v3 =	vsub.f32 v3, v1;
	v9 =	vmul.f32 v9, v2;
	v14 =	vld [tilespmem:$0x2B0]  }
0x8b: {  	v5 =	vsub.f32 v5, v1;
	v8 =	vsub.f32 v8, v1;
	v10 =	vmul.f32 v10, v2  }
0x8c: {  	v6 =	vsub.f32 v6, v1;
	[tilespmem:$0x220] =	vst v3;
	v3 =	vsub.f32 v11, v1;
	v11 =	vmul.f32 v12, v2  }
0x8d: {  	v7 =	vsub.f32 v7, v1;
	[tilespmem:$0x250] =	vst v8;
	v8 =	vsub.f32 v10, v1;
	v4 =	vmul.f32 v4, v2  }
0x8e: {  	v9 =	vsub.f32 v9, v1;
	[tilespmem:$0x240] =	vst v6;
	v6 =	vsub.f32 v11, v1;
	v10 =	vmul.f32 v13, v2  }
0x8f: {  	[tilespmem:$0x260] =	vst v5;
	v4 =	vsub.f32 v4, v1;
	v5 =	vmul.f32 v14, v2  }
0x90: {  	[tilespmem:$0x230] =	vst v3;
	v3 =	vsub.f32 v10, v1  }
0x91: {  	[tilespmem:$0x210] =	vst v9;
	v5 =	vsub.f32 v5, v1  }
0x92: {  	[tilespmem:$0x270] =	vst v8  }
0x93: {  	[tilespmem:$0x290] =	vst v4  }
0x94: {  	[tilespmem:$0x280] =	vst v6  }
0x95: {  	[tilespmem:$0x200] =	vst v7  }
0x96: {  	[tilespmem:$0x2B0] =	vst v5  }
0x97: {  	[tilespmem:$0x2A0] =	vst v3  }
0x98: {  	[hbm4b:s22+s2] =	stream.linear.scatter [tilespmem:s13], [sflag:$0x5], $0xC0, $0x38;
	[tilespmem:$0x500] =	vst v63  }
.Ltmp1:
0x99: {  	_ = 	snop;
	(pc) =	sbr.rel @p0 .LBB2_1-.Ltmp1, $4  }
0x9a: {  	_ =	swait.ge [sflag:s23], $0x140  }
0x9b: {  	[sflag:s23] =	ssyncset.done $0x0  }
0x9c: {  	[sflag:s23] =	ssyncadd.s32 $0xFFFFFEC0  }
0x9d: {  	v3 =	vld [tilespmem:$0x3A0]  }
.LBB2_2:
0x9e: {  	v0 =	vld [tilespmem:$0x340]  }
0x9f: {  	v4 =	vld [tilespmem:$0x2C0]  }
0xa0: {  	v5 =	vld [tilespmem:$0x2F0]  }
0xa1: {  	v6 =	vld [tilespmem:$0x330]  }
0xa2: {  	v7 =	vld [tilespmem:$0x360]  }
0xa3: {  	v8 =	vld [tilespmem:$0x2D0]  }
0xa4: {  	v9 =	vld [tilespmem:$0x300];
	v3 =	vmul.f32 v3, v2  }
0xa5: {  	v10 =	vld [tilespmem:$0x2E0];
	v0 =	vmul.f32 v0, v2  }
0xa6: {  	v39 =	vld [tilespmem:$0x380];
	v4 =	vmul.f32 v4, v2;
	v3 =	vsub.f32 v3, v1  }
0xa7: {  	v40 =	vld [tilespmem:$0x320];
	v5 =	vmul.f32 v5, v2;
	v0 =	vsub.f32 v0, v1  }
0xa8: {  	v42 =	vld [tilespmem:$0x350];
	v37 =	vmul.f32 v6, v2;
	v36 =	vsub.f32 v4, v1;
	[tilespmem:$0x3A0] =	vst v3  }
0xa9: {  	v47 =	vld [tilespmem:$0x3D0];
	v9 =	vmul.f32 v9, v2;
	v5 =	vsub.f32 v5, v1;
	[tilespmem:$0x340] =	vst v0  }
0xaa: {  	v48 =	vld [tilespmem:$0x3B0];
	v10 =	vmul.f32 v10, v2;
	v4 =	vsub.f32 v37, v1;
	[tilespmem:$0x2C0] =	vst v36  }
0xab: {  	v49 =	vld [tilespmem:$0x3E0];
	v6 =	vmul.f32 v39, v2;
	v9 =	vsub.f32 v9, v1;
	[tilespmem:$0x2F0] =	vst v5  }
0xac: {  	v38 =	vmul.f32 v7, v2;
	v7 =	vmul.f32 v40, v2;
	v46 =	vsub.f32 v10, v1;
	[tilespmem:$0x330] =	vst v4  }
0xad: {  	v52 =	vld [tilespmem:$0x3F0];
	v41 =	vmul.f32 v8, v2;
	v8 =	vmul.f32 v42, v2;
	v50 =	vsub.f32 v6, v1;
	[tilespmem:$0x300] =	vst v9  }
0xae: {  	v55 =	vmul.f32 v47, v2;
	v51 =	vsub.f32 v7, v1;
	[tilespmem:$0x2E0] =	vst v46  }
0xaf: {  	v11 =	vld [tilespmem:$0x310];
	v56 =	vmul.f32 v48, v2;
	v8 =	vsub.f32 v8, v1;
	[tilespmem:$0x380] =	vst v50  }
0xb0: {  	v45 =	vld [tilespmem:$0x3C0];
	v57 =	vmul.f32 v49, v2;
	v58 =	vsub.f32 v55, v1;
	[tilespmem:$0x320] =	vst v51  }
0xb1: {  	v43 =	vld [tilespmem:$0x370];
	v59 =	vsub.f32 v56, v1;
	[tilespmem:$0x350] =	vst v8  }
0xb2: {  	v53 =	vld [tilespmem:$0x390];
	v60 =	vmul.f32 v52, v2;
	v62 =	vsub.f32 v57, v1;
	[tilespmem:$0x3D0] =	vst v58  }
0xb3: {  	v0 =	vsub.f32 v38, v1;
	[tilespmem:$0x3B0] =	vst v59  }
0xb4: {  	v44 =	vmul.f32 v11, v2;
	v63 =	vsub.f32 v60, v1;
	[tilespmem:$0x3E0] =	vst v62  }
0xb5: {  	v3 =	vsub.f32 v41, v1;
	[tilespmem:$0x360] =	vst v0;
	v0 =	vmul.f32 v45, v2  }
0xb6: {  	v4 =	vsub.f32 v44, v1;
	v5 =	vmul.f32 v43, v2;
	[tilespmem:$0x3F0] =	vst v63  }
0xb7: {  	v61 =	vmul.f32 v53, v2;
	[tilespmem:$0x2D0] =	vst v3;
	v0 =	vsub.f32 v0, v1  }
0xb8: {  	[tilespmem:$0x310] =	vst v4;
	v54 =	vsub.f32 v5, v1  }
0xb9: {  	[tilespmem:$0x3C0] =	vst v0;
	v0 =	vsub.f32 v61, v1  }
0xba: {  	[tilespmem:$0x370] =	vst v54  }
0xbb: {  	[tilespmem:$0x390] =	vst v0  }
0xbc: {  	[hbm4b:s16+s2] =	stream.linear.scatter [tilespmem:s3], [sflag:$0x6], $0x140, $0x38;
	[tilespmem:$0x500] =	vst v63  }
0xbd: {  	_ =	swait.ge [sflag:s17], $0xC0  }
0xbe: {  	[sflag:s17] =	ssyncset.done $0x0  }
0xbf: {  	[sflag:s17] =	ssyncadd.s32 $0xFFFFFF40  }
0xc0: {  	_ =	swait.ge [sflag:s15], $0x140  }
0xc1: {  	[sflag:s15] =	ssyncset.done $0x0  }
0xc2: {  	[sflag:s15] =	ssyncadd.s32 $0xFFFFFEC0  }
0xc3: {  	_ =	sfence.sel $0x180000  }
0xc4: {  	[bflag:$0x0] =	sbarrier.arrive $0xFFFF  }
0xc5: {  	p0 =	sne.s32 s1, $0x0;
	_ =	strace $0x90000047  }
0xc6: {  	s0 =	sadd.s32 @!p0 $0x100000, s0;
	[bflag:$0x2] =	sbarrier.arrive $0xFFFF  }
0xc7: {  	[sflag:s0] =	ssyncadd.tile.s32 @!p0 $0x1;
	_ =	shalt  }
.Lfunc_end2:
_tile_overlayer_lowered:
.L_overlay_start_2:
0xc8: {  	(tag) =	ssettag $0x2  }
0xc9: {  	s0 =	rddreg [dreg:$0x0];
	s2 =	stileid.u32  }
0xca: {  	s1 =	rddreg [dreg:$0x1];
	p0 =	sne.s32 s2, $0x0  }
0xcb: {  	s3 =	rddreg [dreg:$0x2];
	[bflag:$0x3] =	sbarrier.arrive $0xFFFF;
	s2 =	simm.s32 @!p0 $0x1C09  }
0xcc: {  	[timem:s3], [sflag:s2] =	dma.local @!p0 [hbm:s0], s1  }
0xcd: {  	s0 =	simm.s32 @!p0 $0x9  }
0xce: {  	_ =	swait.ge @!p0 [sflag:s0], s1  }
0xcf: {  	s1 =	ssub.s32 @!p0 $0x0, s1;
	[sflag:s0] =	ssyncset.done @!p0 $0x0  }
0xd0: {  	[sflag:s0] =	ssyncadd.s32 @!p0 s1  }
0xd1: {  	[bflag:$0x3] =	sbarrier.arrive $0xFFFF  }
0xd2: {  	_ =	shalt  }

</sc_bundles>
